<compile_context>
chip_gen: v7x
topology: tpu7x:2x2x1
jax: 0.10.2.dev20260603
libtpu: 0.0.44.dev20260713+nightly
codegen_flags: <defaults>
</compile_context>

<pallas_src>
import functools

import jax
import jax.numpy as jnp
from jax import lax
from jax.experimental import pallas as pl
from jax.experimental.pallas import tpu as pltpu
from jax.experimental.pallas import tpu_sc as plsc

N = 10000
D = 128
E = 320000
EPS = 1e-5

NC = 2
NS = 16
NW = NC * NS
NP = 10240
EP = 327680
EPT = EP // NW
CH = 128
TCH = EP // CH
K0 = 144
K1 = 16
SL0 = 48
SL1 = 16
SL = 48
DUMMY = 10100
RB = 1280
G = NP // RB

_mesh = plsc.VectorSubcoreMesh(core_axis_name="c", subcore_axis_name="s")


@functools.partial(
    pl.kernel,
    out_type=jax.ShapeDtypeStruct((NW, NP), jnp.float32),
    mesh=_mesh,
    compiler_params=pltpu.CompilerParams(needs_layout_passes=False),
    scratch_types=[
        pltpu.VMEM((EPT,), jnp.int32),
        pltpu.VMEM((NP,), jnp.float32),
    ],
)
def _deg_kernel(col_hbm, out_hbm, col_v, deg_v):
    wid = lax.axis_index("s") * NC + lax.axis_index("c")
    pltpu.sync_copy(col_hbm.at[wid], col_v)
    zeros16 = jnp.zeros((16,), jnp.float32)

    def zbody(i, _):
        deg_v[pl.ds(i * 16, 16)] = zeros16
        return 0

    lax.fori_loop(0, NP // 16, zbody, 0)
    ones16 = jnp.ones((16,), jnp.float32)

    def hbody(i, _):
        idx = col_v[pl.ds(i * 16, 16)]
        plsc.addupdate_scatter(deg_v, [idx], ones16)
        return 0

    lax.fori_loop(0, EPT // 16, hbody, 0)
    pltpu.sync_copy(deg_v, out_hbm.at[wid])


@functools.partial(
    pl.kernel,
    out_type=jax.ShapeDtypeStruct((NC, NP, D), jnp.float32),
    mesh=_mesh,
    compiler_params=pltpu.CompilerParams(needs_layout_passes=False),
    scratch_types=[
        pltpu.VMEM((SL, CH), jnp.int32),
        pltpu.VMEM((SL, CH), jnp.int32),
        pltpu.VMEM((CH, D), jnp.float32),
        pltpu.VMEM((CH, D), jnp.float32),
        pltpu.VMEM_SHARED((NP, D), jnp.float32),
        pltpu.SemaphoreType.DMA,
        pltpu.SemaphoreType.DMA,
    ],
)
def _agg_kernel(y_hbm, row_hbm, col_hbm, out_hbm,
                row_v, col_v, buf0, buf1, acc, sem0, sem1):
    cid = lax.axis_index("c")
    sid = lax.axis_index("s")
    rpt = NP // NS

    zeros16 = jnp.zeros((16,), jnp.float32)

    def zbody(i, _):
        for k in range(D // 16):
            buf0[i, pl.ds(k * 16, 16)] = zeros16
        return 0

    lax.fori_loop(0, CH, zbody, 0)
    for k in range(rpt // CH):
        pltpu.sync_copy(buf0, acc.at[pl.ds(sid * rpt + k * CH, CH)])
    plsc.subcore_barrier()

    bufs = (buf0, buf1)
    sems = (sem0, sem1)

    def run_side(base, k, sl):
        for slab in range(k // sl):
            cb = base + slab * sl
            pltpu.sync_copy(row_hbm.at[pl.ds(cb, sl)],
                            row_v.at[pl.ds(0, sl)])
            pltpu.sync_copy(col_hbm.at[pl.ds(cb, sl)],
                            col_v.at[pl.ds(0, sl)])
            pltpu.async_copy(y_hbm.at[row_v.at[0]], buf0, sem0)

            def body(i, _):
                for t in (0, 1):
                    j = 2 * i + t
                    pltpu.make_async_copy(y_hbm.at[row_v.at[j]], bufs[t],
                                          sems[t]).wait()

                    @pl.when(j + 1 < sl)
                    def _start_next():
                        pltpu.async_copy(y_hbm.at[row_v.at[j + 1]],
                                         bufs[1 - t], sems[1 - t])

                    pltpu.sync_copy(bufs[t], acc.at[col_v.at[j]], add=True)
                return 0

            lax.fori_loop(0, sl // 2, body, 0)

    @pl.when(cid == 0)
    def _side0():
        run_side(sid * K0, K0, SL0)

    @pl.when(cid == 1)
    def _side1():
        run_side(NS * K0 + sid * K1, K1, SL1)

    plsc.subcore_barrier()
    pltpu.sync_copy(acc.at[pl.ds(sid * rpt, rpt)],
                    out_hbm.at[cid, pl.ds(sid * rpt, rpt)])


def _dis_body(part_ref, o_ref):
    s = jnp.sum(part_ref[...], axis=0) + 1.0
    o_ref[...] = lax.rsqrt(s)


_dis_call = pl.pallas_call(
    _dis_body,
    out_shape=jax.ShapeDtypeStruct((NP,), jnp.float32),
)


def _scale_body(x_ref, dis_ref, o_ref):
    o_ref[...] = x_ref[...] * dis_ref[...]


_scale_call = pl.pallas_call(
    _scale_body,
    grid=(G,),
    in_specs=[
        pl.BlockSpec((RB, D), lambda i: (i, 0)),
        pl.BlockSpec((RB, 1), lambda i: (i, 0)),
    ],
    out_specs=pl.BlockSpec((RB, D), lambda i: (i, 0)),
    out_shape=jax.ShapeDtypeStruct((NP, D), jnp.float32),
)


def _mm_body(p_ref, y_ref, dis_ref, w_ref, b_ref, h_ref, mom_ref):
    i = pl.program_id(0)
    z = (p_ref[0] + p_ref[1] + y_ref[...]) * dis_ref[...]
    h = jnp.dot(z, w_ref[...], preferred_element_type=jnp.float32) + b_ref[...]
    h_ref[...] = h
    rows = i * RB + lax.broadcasted_iota(jnp.int32, (RB, 1), 0)
    hm = jnp.where(rows < N, h, 0.0)
    s1 = jnp.sum(hm, axis=0, keepdims=True)
    s2 = jnp.sum(hm * hm, axis=0, keepdims=True)
    mom_ref[...] = jnp.concatenate([s1, s2], axis=0).reshape(1, 2, D)


_mm_call = pl.pallas_call(
    _mm_body,
    grid=(G,),
    in_specs=[
        pl.BlockSpec((NC, RB, D), lambda i: (0, i, 0)),
        pl.BlockSpec((RB, D), lambda i: (i, 0)),
        pl.BlockSpec((RB, 1), lambda i: (i, 0)),
        pl.BlockSpec((D, D), lambda i: (0, 0)),
        pl.BlockSpec((1, D), lambda i: (0, 0)),
    ],
    out_specs=[
        pl.BlockSpec((RB, D), lambda i: (i, 0)),
        pl.BlockSpec((1, 2, D), lambda i: (i, 0, 0)),
    ],
    out_shape=[
        jax.ShapeDtypeStruct((NP, D), jnp.float32),
        jax.ShapeDtypeStruct((G, 2, D), jnp.float32),
    ],
)


def _bn_body(h_ref, mom_ref, g_ref, bt_ref, o_ref):
    m = jnp.sum(mom_ref[...], axis=0)
    mean = m[0:1] * (1.0 / N)
    var = m[1:2] * (1.0 / N) - mean * mean
    scale = g_ref[...] * lax.rsqrt(var + EPS)
    shift = bt_ref[...] - mean * scale
    o_ref[...] = jnp.maximum(h_ref[...] * scale + shift, 0.0)


_BNB = 1000

_bn_call = pl.pallas_call(
    _bn_body,
    grid=(N // _BNB,),
    in_specs=[
        pl.BlockSpec((_BNB, D), lambda i: (i, 0)),
        pl.BlockSpec((G, 2, D), lambda i: (0, 0, 0)),
        pl.BlockSpec((1, D), lambda i: (0, 0)),
        pl.BlockSpec((1, D), lambda i: (0, 0)),
    ],
    out_specs=pl.BlockSpec((_BNB, D), lambda i: (i, 0)),
    out_shape=jax.ShapeDtypeStruct((N, D), jnp.float32),
)


def kernel(x, edge_index, W, b, gamma, beta):
    x = x.astype(jnp.float32)
    ei = edge_index.astype(jnp.int32)
    rowp = jnp.concatenate([ei[0], jnp.zeros((EP - E,), jnp.int32)])
    colp = jnp.concatenate([ei[1], jnp.full((EP - E,), DUMMY, jnp.int32)])
    col_flat = colp.reshape(NW, EPT)
    row3 = rowp.reshape(TCH, CH)
    col3 = colp.reshape(TCH, CH)

    parts = _deg_kernel(col_flat)
    dis = _dis_call(parts)
    dis_col = dis.reshape(NP, 1)
    x_pad = jnp.concatenate([x, jnp.zeros((NP - N, D), jnp.float32)])
    y = _scale_call(x_pad, dis_col)
    p = _agg_kernel(y, row3, col3)
    h, mom = _mm_call(p, y, dis_col,
                      W.astype(jnp.float32),
                      b.astype(jnp.float32).reshape(1, D))
    return _bn_call(h, mom,
                    gamma.astype(jnp.float32).reshape(1, D),
                    beta.astype(jnp.float32).reshape(1, D))

# --- scband reference (transcript-rebuilt; emitter-appended) ---
"""Pipeline reference for scband-gcnlayer-66365834658161 (READ-ONLY COPY).

The authoritative reference and input builder live on the scoring server;
editing this copy changes nothing except your own understanding.
"""

import jax, jax.numpy as jnp
import numpy as np

N_NODES = 10000
IN_DIM = 128
OUT_DIM = 128
N_EDGES = 320000
EPS = 1e-5


def setup_inputs(seed: int = 0) -> dict:
    key = jax.random.key(seed)
    k1, k2, k3, k4 = jax.random.split(key, 4)
    x = jax.random.normal(k1, (N_NODES, IN_DIM), dtype=jnp.float32)
    edge_index = jax.random.randint(k2, (2, N_EDGES), 0, N_NODES, dtype=jnp.int64)
    # GCNConv weight (glorot) and bias
    limit = float(np.sqrt(6.0 / (IN_DIM + OUT_DIM)))
    W = jax.random.uniform(k3, (IN_DIM, OUT_DIM), minval=-limit, maxval=limit, dtype=jnp.float32)
    b = jnp.zeros((OUT_DIM,), dtype=jnp.float32)
    # BatchNorm1d affine params
    gamma = jnp.ones((OUT_DIM,), dtype=jnp.float32)
    beta = jnp.zeros((OUT_DIM,), dtype=jnp.float32)
    return {"x": x, "edge_index": edge_index, "W": W, "b": b, "gamma": gamma, "beta": beta}


def reference(x, edge_index, W, b, gamma, beta):
    N = x.shape[0]
    # --- GCNConv (PyG semantics: add self-loops, symmetric normalization) ---
    loop = jnp.arange(N, dtype=edge_index.dtype)
    row = jnp.concatenate([edge_index[0], loop])  # source
    col = jnp.concatenate([edge_index[1], loop])  # target (aggregation index)
    deg = jnp.zeros((N,), dtype=x.dtype).at[col].add(1.0)
    deg_inv_sqrt = jnp.where(deg > 0, deg ** -0.5, 0.0)
    norm = deg_inv_sqrt[row] * deg_inv_sqrt[col]
    h = x @ W
    msg = h[row] * norm[:, None]
    out = jnp.zeros((N, h.shape[1]), dtype=x.dtype).at[col].add(msg)
    out = out + b
    # --- BatchNorm1d (training mode: batch statistics, biased variance) ---
    mean = jnp.mean(out, axis=0)
    var = jnp.var(out, axis=0)
    out = gamma * (out - mean) / jnp.sqrt(var + EPS) + beta
    # --- Dropout treated as identity (inference), then ReLU ---
    return jax.nn.relu(out)

if __name__ == "__main__":
    import jax
    _d = setup_inputs()
    print(jax.jit(kernel)(*tuple(_d.values())))

</pallas_src>

<mosaic_0001>
#map = affine_map<(d0, d1) -> (0, 0)>
#map1 = affine_map<(d0, d1) -> (0, 0, 0)>
module attributes {stable_mosaic.version = 14 : i64} {
  func.func @_agg_kernel(%arg0: i32, %arg1: i32, %arg2: memref<10240x128xf32, #tpu.memory_space<hbm>>, %arg3: memref<2560x128xi32, #tpu.memory_space<hbm>>, %arg4: memref<2560x128xi32, #tpu.memory_space<hbm>>, %arg5: memref<2x10240x128xf32, #tpu.memory_space<hbm>>, %arg6: memref<48x128xi32, #tpu.memory_space<vmem>>, %arg7: memref<48x128xi32, #tpu.memory_space<vmem>>, %arg8: memref<128x128xf32, #tpu.memory_space<vmem>>, %arg9: memref<128x128xf32, #tpu.memory_space<vmem>>, %arg10: memref<10240x128xf32, #tpu.memory_space<vmem_shared>>, %arg11: memref<!tpu.dma_semaphore, #tpu.memory_space<semaphore_mem>>, %arg12: memref<!tpu.dma_semaphore, #tpu.memory_space<semaphore_mem>>) attributes {dimension_semantics = [#tpu.dimension_semantics<core_parallel>, #tpu.dimension_semantics<subcore_parallel>], iteration_bounds = array<i64: 2, 16>, scalar_prefetch = 0 : i64, scratch_operands = 7 : i64, tpu.core_type = #tpu.core_type<sc_vector_subcore>, window_params = [{transform_indices = #map}, {transform_indices = #map}, {transform_indices = #map}, {transform_indices = #map1}]} {
    %broadcast_in_dim3A = arith.constant 0.000000e+00 : f32
    %broadcast_in_dim3A_0 = vector.broadcast %broadcast_in_dim3A : f32 to vector<16xf32>
    %scan3A = arith.constant 0 : i32
    %scan3A_1 = arith.constant 0 : i32
    %scan3A_2 = arith.constant 128 : i32
    %scan3A_3 = arith.addi %scan3A_1, %scan3A_2 : i32
    %scan3A_4 = arith.constant 1 : i32
    %scan3A_5 = scf.for %scan3A_37 = %scan3A_1 to %scan3A_3 step %scan3A_4 iter_args(%scan3A_38 = %scan3A) -> (i32)  : i32 {
      %swap3A = arith.index_cast %scan3A_37 : i32 to index
      %swap3A_39 = arith.constant 0 : index
      %swap3A_40 = tpu.vector_load %arg8[%swap3A, %swap3A_39] {strides = array<i32>} : memref<128x128xf32, #tpu.memory_space<vmem>>, vector<16xf32>,
      tpu.vector_store %arg8[%swap3A, %swap3A_39], %broadcast_in_dim3A_0 {strides = array<i32>} : memref<128x128xf32, #tpu.memory_space<vmem>>, vector<16xf32>,
      %swap3A_41 = arith.index_cast %scan3A_37 : i32 to index
      %swap3A_42 = arith.constant 16 : index
      %swap3A_43 = tpu.vector_load %arg8[%swap3A_41, %swap3A_42] {strides = array<i32>} : memref<128x128xf32, #tpu.memory_space<vmem>>, vector<16xf32>,
      tpu.vector_store %arg8[%swap3A_41, %swap3A_42], %broadcast_in_dim3A_0 {strides = array<i32>} : memref<128x128xf32, #tpu.memory_space<vmem>>, vector<16xf32>,
      %swap3A_44 = arith.index_cast %scan3A_37 : i32 to index
      %swap3A_45 = arith.constant 32 : index
      %swap3A_46 = tpu.vector_load %arg8[%swap3A_44, %swap3A_45] {strides = array<i32>} : memref<128x128xf32, #tpu.memory_space<vmem>>, vector<16xf32>,
      tpu.vector_store %arg8[%swap3A_44, %swap3A_45], %broadcast_in_dim3A_0 {strides = array<i32>} : memref<128x128xf32, #tpu.memory_space<vmem>>, vector<16xf32>,
      %swap3A_47 = arith.index_cast %scan3A_37 : i32 to index
      %swap3A_48 = arith.constant 48 : index
      %swap3A_49 = tpu.vector_load %arg8[%swap3A_47, %swap3A_48] {strides = array<i32>} : memref<128x128xf32, #tpu.memory_space<vmem>>, vector<16xf32>,
      tpu.vector_store %arg8[%swap3A_47, %swap3A_48], %broadcast_in_dim3A_0 {strides = array<i32>} : memref<128x128xf32, #tpu.memory_space<vmem>>, vector<16xf32>,
      %swap3A_50 = arith.index_cast %scan3A_37 : i32 to index
      %swap3A_51 = arith.constant 64 : index
      %swap3A_52 = tpu.vector_load %arg8[%swap3A_50, %swap3A_51] {strides = array<i32>} : memref<128x128xf32, #tpu.memory_space<vmem>>, vector<16xf32>,
      tpu.vector_store %arg8[%swap3A_50, %swap3A_51], %broadcast_in_dim3A_0 {strides = array<i32>} : memref<128x128xf32, #tpu.memory_space<vmem>>, vector<16xf32>,
      %swap3A_53 = arith.index_cast %scan3A_37 : i32 to index
      %swap3A_54 = arith.constant 80 : index
      %swap3A_55 = tpu.vector_load %arg8[%swap3A_53, %swap3A_54] {strides = array<i32>} : memref<128x128xf32, #tpu.memory_space<vmem>>, vector<16xf32>,
      tpu.vector_store %arg8[%swap3A_53, %swap3A_54], %broadcast_in_dim3A_0 {strides = array<i32>} : memref<128x128xf32, #tpu.memory_space<vmem>>, vector<16xf32>,
      %swap3A_56 = arith.index_cast %scan3A_37 : i32 to index
      %swap3A_57 = arith.constant 96 : index
      %swap3A_58 = tpu.vector_load %arg8[%swap3A_56, %swap3A_57] {strides = array<i32>} : memref<128x128xf32, #tpu.memory_space<vmem>>, vector<16xf32>,
      tpu.vector_store %arg8[%swap3A_56, %swap3A_57], %broadcast_in_dim3A_0 {strides = array<i32>} : memref<128x128xf32, #tpu.memory_space<vmem>>, vector<16xf32>,
      %swap3A_59 = arith.index_cast %scan3A_37 : i32 to index
      %swap3A_60 = arith.constant 112 : index
      %swap3A_61 = tpu.vector_load %arg8[%swap3A_59, %swap3A_60] {strides = array<i32>} : memref<128x128xf32, #tpu.memory_space<vmem>>, vector<16xf32>,
      tpu.vector_store %arg8[%swap3A_59, %swap3A_60], %broadcast_in_dim3A_0 {strides = array<i32>} : memref<128x128xf32, #tpu.memory_space<vmem>>, vector<16xf32>,
      %scan3A_62 = arith.constant 0 : i32
      scf.yield %scan3A_62 : i32
    }
    %scan3A_6 = arith.constant 128 : i32
    %mul3A = arith.constant 640 : i32
    %mul3A_7 = arith.muli %arg1, %mul3A : i32
    %add3A = arith.constant 0 : i32
    %add3A_8 = arith.addi %mul3A_7, %add3A : i32
    "tpu.region"() ({
      %run_scoped3A = tpu.sem_alloc : memref<!tpu.dma_semaphore, #tpu.memory_space<semaphore_mem>>
      %dma_start3A = arith.constant 0 : i32
      %dma_start3A_37 = tpu.memref_slice %arg10[%add3A_8, %dma_start3A] : memref<10240x128xf32, #tpu.memory_space<vmem_shared>> -> memref<128x128xf32, #tpu.memory_space<vmem_shared>>
      %dma_start3A_38 = arith.constant 0 : i32
      %dma_start3A_39 = tpu.memref_slice %arg10[%add3A_8, %dma_start3A_38] : memref<10240x128xf32, #tpu.memory_space<vmem_shared>> -> memref<128x128xf32, #tpu.memory_space<vmem_shared>>
      tpu.enqueue_dma source(%arg8 : memref<128x128xf32, #tpu.memory_space<vmem>>) target(%dma_start3A_39 : memref<128x128xf32, #tpu.memory_space<vmem_shared>>) target_semaphore(%run_scoped3A : memref<!tpu.dma_semaphore, #tpu.memory_space<semaphore_mem>>)
      %dma_wait3A = arith.constant 0 : i32
      %dma_wait3A_40 = tpu.memref_slice %arg10[%add3A_8, %dma_wait3A] : memref<10240x128xf32, #tpu.memory_space<vmem_shared>> -> memref<128x128xf32, #tpu.memory_space<vmem_shared>>
      %dma_wait3A_41 = arith.constant 0 : i32
      %dma_wait3A_42 = tpu.memref_slice %arg10[%add3A_8, %dma_wait3A_41] : memref<10240x128xf32, #tpu.memory_space<vmem_shared>> -> memref<128x128xf32, #tpu.memory_space<vmem_shared>>
      tpu.wait_dma2 semaphore(%run_scoped3A : memref<!tpu.dma_semaphore, #tpu.memory_space<semaphore_mem>>) src(%arg8 : memref<128x128xf32, #tpu.memory_space<vmem>>) dst(%dma_wait3A_42 : memref<128x128xf32, #tpu.memory_space<vmem_shared>>)
      tpu.yield
    }) : () -> ()
    %mul3A_9 = arith.constant 640 : i32
    %mul3A_10 = arith.muli %arg1, %mul3A_9 : i32
    %add3A_11 = arith.constant 128 : i32
    %add3A_12 = arith.addi %mul3A_10, %add3A_11 : i32
    "tpu.region"() ({
      %run_scoped3A = tpu.sem_alloc : memref<!tpu.dma_semaphore, #tpu.memory_space<semaphore_mem>>
      %dma_start3A = arith.constant 0 : i32
      %dma_start3A_37 = tpu.memref_slice %arg10[%add3A_12, %dma_start3A] : memref<10240x128xf32, #tpu.memory_space<vmem_shared>> -> memref<128x128xf32, #tpu.memory_space<vmem_shared>>
      %dma_start3A_38 = arith.constant 0 : i32
      %dma_start3A_39 = tpu.memref_slice %arg10[%add3A_12, %dma_start3A_38] : memref<10240x128xf32, #tpu.memory_space<vmem_shared>> -> memref<128x128xf32, #tpu.memory_space<vmem_shared>>
      tpu.enqueue_dma source(%arg8 : memref<128x128xf32, #tpu.memory_space<vmem>>) target(%dma_start3A_39 : memref<128x128xf32, #tpu.memory_space<vmem_shared>>) target_semaphore(%run_scoped3A : memref<!tpu.dma_semaphore, #tpu.memory_space<semaphore_mem>>)
      %dma_wait3A = arith.constant 0 : i32
      %dma_wait3A_40 = tpu.memref_slice %arg10[%add3A_12, %dma_wait3A] : memref<10240x128xf32, #tpu.memory_space<vmem_shared>> -> memref<128x128xf32, #tpu.memory_space<vmem_shared>>
      %dma_wait3A_41 = arith.constant 0 : i32
      %dma_wait3A_42 = tpu.memref_slice %arg10[%add3A_12, %dma_wait3A_41] : memref<10240x128xf32, #tpu.memory_space<vmem_shared>> -> memref<128x128xf32, #tpu.memory_space<vmem_shared>>
      tpu.wait_dma2 semaphore(%run_scoped3A : memref<!tpu.dma_semaphore, #tpu.memory_space<semaphore_mem>>) src(%arg8 : memref<128x128xf32, #tpu.memory_space<vmem>>) dst(%dma_wait3A_42 : memref<128x128xf32, #tpu.memory_space<vmem_shared>>)
      tpu.yield
    }) : () -> ()
    %mul3A_13 = arith.constant 640 : i32
    %mul3A_14 = arith.muli %arg1, %mul3A_13 : i32
    %add3A_15 = arith.constant 256 : i32
    %add3A_16 = arith.addi %mul3A_14, %add3A_15 : i32
    "tpu.region"() ({
      %run_scoped3A = tpu.sem_alloc : memref<!tpu.dma_semaphore, #tpu.memory_space<semaphore_mem>>
      %dma_start3A = arith.constant 0 : i32
      %dma_start3A_37 = tpu.memref_slice %arg10[%add3A_16, %dma_start3A] : memref<10240x128xf32, #tpu.memory_space<vmem_shared>> -> memref<128x128xf32, #tpu.memory_space<vmem_shared>>
      %dma_start3A_38 = arith.constant 0 : i32
      %dma_start3A_39 = tpu.memref_slice %arg10[%add3A_16, %dma_start3A_38] : memref<10240x128xf32, #tpu.memory_space<vmem_shared>> -> memref<128x128xf32, #tpu.memory_space<vmem_shared>>
      tpu.enqueue_dma source(%arg8 : memref<128x128xf32, #tpu.memory_space<vmem>>) target(%dma_start3A_39 : memref<128x128xf32, #tpu.memory_space<vmem_shared>>) target_semaphore(%run_scoped3A : memref<!tpu.dma_semaphore, #tpu.memory_space<semaphore_mem>>)
      %dma_wait3A = arith.constant 0 : i32
      %dma_wait3A_40 = tpu.memref_slice %arg10[%add3A_16, %dma_wait3A] : memref<10240x128xf32, #tpu.memory_space<vmem_shared>> -> memref<128x128xf32, #tpu.memory_space<vmem_shared>>
      %dma_wait3A_41 = arith.constant 0 : i32
      %dma_wait3A_42 = tpu.memref_slice %arg10[%add3A_16, %dma_wait3A_41] : memref<10240x128xf32, #tpu.memory_space<vmem_shared>> -> memref<128x128xf32, #tpu.memory_space<vmem_shared>>
      tpu.wait_dma2 semaphore(%run_scoped3A : memref<!tpu.dma_semaphore, #tpu.memory_space<semaphore_mem>>) src(%arg8 : memref<128x128xf32, #tpu.memory_space<vmem>>) dst(%dma_wait3A_42 : memref<128x128xf32, #tpu.memory_space<vmem_shared>>)
      tpu.yield
    }) : () -> ()
    %mul3A_17 = arith.constant 640 : i32
    %mul3A_18 = arith.muli %arg1, %mul3A_17 : i32
    %add3A_19 = arith.constant 384 : i32
    %add3A_20 = arith.addi %mul3A_18, %add3A_19 : i32
    "tpu.region"() ({
      %run_scoped3A = tpu.sem_alloc : memref<!tpu.dma_semaphore, #tpu.memory_space<semaphore_mem>>
      %dma_start3A = arith.constant 0 : i32
      %dma_start3A_37 = tpu.memref_slice %arg10[%add3A_20, %dma_start3A] : memref<10240x128xf32, #tpu.memory_space<vmem_shared>> -> memref<128x128xf32, #tpu.memory_space<vmem_shared>>
      %dma_start3A_38 = arith.constant 0 : i32
      %dma_start3A_39 = tpu.memref_slice %arg10[%add3A_20, %dma_start3A_38] : memref<10240x128xf32, #tpu.memory_space<vmem_shared>> -> memref<128x128xf32, #tpu.memory_space<vmem_shared>>
      tpu.enqueue_dma source(%arg8 : memref<128x128xf32, #tpu.memory_space<vmem>>) target(%dma_start3A_39 : memref<128x128xf32, #tpu.memory_space<vmem_shared>>) target_semaphore(%run_scoped3A : memref<!tpu.dma_semaphore, #tpu.memory_space<semaphore_mem>>)
      %dma_wait3A = arith.constant 0 : i32
      %dma_wait3A_40 = tpu.memref_slice %arg10[%add3A_20, %dma_wait3A] : memref<10240x128xf32, #tpu.memory_space<vmem_shared>> -> memref<128x128xf32, #tpu.memory_space<vmem_shared>>
      %dma_wait3A_41 = arith.constant 0 : i32
      %dma_wait3A_42 = tpu.memref_slice %arg10[%add3A_20, %dma_wait3A_41] : memref<10240x128xf32, #tpu.memory_space<vmem_shared>> -> memref<128x128xf32, #tpu.memory_space<vmem_shared>>
      tpu.wait_dma2 semaphore(%run_scoped3A : memref<!tpu.dma_semaphore, #tpu.memory_space<semaphore_mem>>) src(%arg8 : memref<128x128xf32, #tpu.memory_space<vmem>>) dst(%dma_wait3A_42 : memref<128x128xf32, #tpu.memory_space<vmem_shared>>)
      tpu.yield
    }) : () -> ()
    %mul3A_21 = arith.constant 640 : i32
    %mul3A_22 = arith.muli %arg1, %mul3A_21 : i32
    %add3A_23 = arith.constant 512 : i32
    %add3A_24 = arith.addi %mul3A_22, %add3A_23 : i32
    "tpu.region"() ({
      %run_scoped3A = tpu.sem_alloc : memref<!tpu.dma_semaphore, #tpu.memory_space<semaphore_mem>>
      %dma_start3A = arith.constant 0 : i32
      %dma_start3A_37 = tpu.memref_slice %arg10[%add3A_24, %dma_start3A] : memref<10240x128xf32, #tpu.memory_space<vmem_shared>> -> memref<128x128xf32, #tpu.memory_space<vmem_shared>>
      %dma_start3A_38 = arith.constant 0 : i32
      %dma_start3A_39 = tpu.memref_slice %arg10[%add3A_24, %dma_start3A_38] : memref<10240x128xf32, #tpu.memory_space<vmem_shared>> -> memref<128x128xf32, #tpu.memory_space<vmem_shared>>
      tpu.enqueue_dma source(%arg8 : memref<128x128xf32, #tpu.memory_space<vmem>>) target(%dma_start3A_39 : memref<128x128xf32, #tpu.memory_space<vmem_shared>>) target_semaphore(%run_scoped3A : memref<!tpu.dma_semaphore, #tpu.memory_space<semaphore_mem>>)
      %dma_wait3A = arith.constant 0 : i32
      %dma_wait3A_40 = tpu.memref_slice %arg10[%add3A_24, %dma_wait3A] : memref<10240x128xf32, #tpu.memory_space<vmem_shared>> -> memref<128x128xf32, #tpu.memory_space<vmem_shared>>
      %dma_wait3A_41 = arith.constant 0 : i32
      %dma_wait3A_42 = tpu.memref_slice %arg10[%add3A_24, %dma_wait3A_41] : memref<10240x128xf32, #tpu.memory_space<vmem_shared>> -> memref<128x128xf32, #tpu.memory_space<vmem_shared>>
      tpu.wait_dma2 semaphore(%run_scoped3A : memref<!tpu.dma_semaphore, #tpu.memory_space<semaphore_mem>>) src(%arg8 : memref<128x128xf32, #tpu.memory_space<vmem>>) dst(%dma_wait3A_42 : memref<128x128xf32, #tpu.memory_space<vmem_shared>>)
      tpu.yield
    }) : () -> ()
    %barrier3A = arith.constant 0 : index
    tpu.barrier barrier_id(%barrier3A)
    %eq3A = arith.constant 0 : i32
    %eq3A_25 = arith.cmpi eq, %arg0, %eq3A : i32
    %convert_element_type3A = arith.extui %eq3A_25 : i1 to i32
    %cond3A = arith.constant 0 : i32
    %cond3A_26 = arith.cmpi ne, %convert_element_type3A, %cond3A : i32
    scf.if %cond3A_26 {
      %mul3A_37 = arith.constant 144 : i32
      %mul3A_38 = arith.muli %arg1, %mul3A_37 : i32
      %add3A_39 = arith.constant 0 : i32
      %add3A_40 = arith.addi %mul3A_38, %add3A_39 : i32
      "tpu.region"() ({
        %run_scoped3A = tpu.sem_alloc : memref<!tpu.dma_semaphore, #tpu.memory_space<semaphore_mem>>
        %dma_start3A_86 = arith.constant 0 : i32
        %dma_start3A_87 = arith.constant 0 : i32
        %dma_start3A_88 = tpu.memref_slice %arg6[%dma_start3A_86, %dma_start3A_87] : memref<48x128xi32, #tpu.memory_space<vmem>> -> memref<48x128xi32, #tpu.memory_space<vmem>>
        %dma_start3A_89 = arith.constant 0 : i32
        %dma_start3A_90 = tpu.memref_slice %arg3[%add3A_40, %dma_start3A_89] : memref<2560x128xi32, #tpu.memory_space<hbm>> -> memref<48x128xi32, #tpu.memory_space<hbm>>
        %dma_start3A_91 = arith.constant 0 : i32
        %dma_start3A_92 = arith.constant 0 : i32
        %dma_start3A_93 = tpu.memref_slice %arg6[%dma_start3A_91, %dma_start3A_92] : memref<48x128xi32, #tpu.memory_space<vmem>> -> memref<48x128xi32, #tpu.memory_space<vmem>>
        %dma_start3A_94 = arith.constant 0 : i32
        %dma_start3A_95 = tpu.memref_slice %arg3[%add3A_40, %dma_start3A_94] : memref<2560x128xi32, #tpu.memory_space<hbm>> -> memref<48x128xi32, #tpu.memory_space<hbm>>
        tpu.enqueue_dma source(%dma_start3A_95 : memref<48x128xi32, #tpu.memory_space<hbm>>) target(%dma_start3A_93 : memref<48x128xi32, #tpu.memory_space<vmem>>) target_semaphore(%run_scoped3A : memref<!tpu.dma_semaphore, #tpu.memory_space<semaphore_mem>>)
        %dma_wait3A = arith.constant 0 : i32
        %dma_wait3A_96 = arith.constant 0 : i32
        %dma_wait3A_97 = tpu.memref_slice %arg6[%dma_wait3A, %dma_wait3A_96] : memref<48x128xi32, #tpu.memory_space<vmem>> -> memref<48x128xi32, #tpu.memory_space<vmem>>
        %dma_wait3A_98 = arith.constant 0 : i32
        %dma_wait3A_99 = tpu.memref_slice %arg3[%add3A_40, %dma_wait3A_98] : memref<2560x128xi32, #tpu.memory_space<hbm>> -> memref<48x128xi32, #tpu.memory_space<hbm>>
        %dma_wait3A_100 = arith.constant 0 : i32
        %dma_wait3A_101 = arith.constant 0 : i32
        %dma_wait3A_102 = tpu.memref_slice %arg6[%dma_wait3A_100, %dma_wait3A_101] : memref<48x128xi32, #tpu.memory_space<vmem>> -> memref<48x128xi32, #tpu.memory_space<vmem>>
        %dma_wait3A_103 = arith.constant 0 : i32
        %dma_wait3A_104 = tpu.memref_slice %arg3[%add3A_40, %dma_wait3A_103] : memref<2560x128xi32, #tpu.memory_space<hbm>> -> memref<48x128xi32, #tpu.memory_space<hbm>>
        tpu.wait_dma2 semaphore(%run_scoped3A : memref<!tpu.dma_semaphore, #tpu.memory_space<semaphore_mem>>) src(%dma_wait3A_104 : memref<48x128xi32, #tpu.memory_space<hbm>>) dst(%dma_wait3A_102 : memref<48x128xi32, #tpu.memory_space<vmem>>)
        tpu.yield
      }) : () -> ()
      "tpu.region"() ({
        %run_scoped3A = tpu.sem_alloc : memref<!tpu.dma_semaphore, #tpu.memory_space<semaphore_mem>>
        %dma_start3A_86 = arith.constant 0 : i32
        %dma_start3A_87 = arith.constant 0 : i32
        %dma_start3A_88 = tpu.memref_slice %arg7[%dma_start3A_86, %dma_start3A_87] : memref<48x128xi32, #tpu.memory_space<vmem>> -> memref<48x128xi32, #tpu.memory_space<vmem>>
        %dma_start3A_89 = arith.constant 0 : i32
        %dma_start3A_90 = tpu.memref_slice %arg4[%add3A_40, %dma_start3A_89] : memref<2560x128xi32, #tpu.memory_space<hbm>> -> memref<48x128xi32, #tpu.memory_space<hbm>>
        %dma_start3A_91 = arith.constant 0 : i32
        %dma_start3A_92 = arith.constant 0 : i32
        %dma_start3A_93 = tpu.memref_slice %arg7[%dma_start3A_91, %dma_start3A_92] : memref<48x128xi32, #tpu.memory_space<vmem>> -> memref<48x128xi32, #tpu.memory_space<vmem>>
        %dma_start3A_94 = arith.constant 0 : i32
        %dma_start3A_95 = tpu.memref_slice %arg4[%add3A_40, %dma_start3A_94] : memref<2560x128xi32, #tpu.memory_space<hbm>> -> memref<48x128xi32, #tpu.memory_space<hbm>>
        tpu.enqueue_dma source(%dma_start3A_95 : memref<48x128xi32, #tpu.memory_space<hbm>>) target(%dma_start3A_93 : memref<48x128xi32, #tpu.memory_space<vmem>>) target_semaphore(%run_scoped3A : memref<!tpu.dma_semaphore, #tpu.memory_space<semaphore_mem>>)
        %dma_wait3A = arith.constant 0 : i32
        %dma_wait3A_96 = arith.constant 0 : i32
        %dma_wait3A_97 = tpu.memref_slice %arg7[%dma_wait3A, %dma_wait3A_96] : memref<48x128xi32, #tpu.memory_space<vmem>> -> memref<48x128xi32, #tpu.memory_space<vmem>>
        %dma_wait3A_98 = arith.constant 0 : i32
        %dma_wait3A_99 = tpu.memref_slice %arg4[%add3A_40, %dma_wait3A_98] : memref<2560x128xi32, #tpu.memory_space<hbm>> -> memref<48x128xi32, #tpu.memory_space<hbm>>
        %dma_wait3A_100 = arith.constant 0 : i32
        %dma_wait3A_101 = arith.constant 0 : i32
        %dma_wait3A_102 = tpu.memref_slice %arg7[%dma_wait3A_100, %dma_wait3A_101] : memref<48x128xi32, #tpu.memory_space<vmem>> -> memref<48x128xi32, #tpu.memory_space<vmem>>
        %dma_wait3A_103 = arith.constant 0 : i32
        %dma_wait3A_104 = tpu.memref_slice %arg4[%add3A_40, %dma_wait3A_103] : memref<2560x128xi32, #tpu.memory_space<hbm>> -> memref<48x128xi32, #tpu.memory_space<hbm>>
        tpu.wait_dma2 semaphore(%run_scoped3A : memref<!tpu.dma_semaphore, #tpu.memory_space<semaphore_mem>>) src(%dma_wait3A_104 : memref<48x128xi32, #tpu.memory_space<hbm>>) dst(%dma_wait3A_102 : memref<48x128xi32, #tpu.memory_space<vmem>>)
        tpu.yield
      }) : () -> ()
      %dma_start3A = arith.constant 0 : i32
      %dma_start3A_41 = arith.constant 0 : i32
      %dma_start3A_42 = tpu.memref_slice %arg6[%dma_start3A, %dma_start3A_41] : memref<48x128xi32, #tpu.memory_space<vmem>> -> memref<1x128xi32, #tpu.memory_space<vmem>>
      %dma_start3A_43 = tpu.memref_squeeze %dma_start3A_42 : memref<1x128xi32, #tpu.memory_space<vmem>> -> memref<128xi32, #tpu.memory_space<vmem>>
      %dma_start3A_44 = arith.constant 0 : i32
      %dma_start3A_45 = arith.constant 0 : i32
      %dma_start3A_46 = tpu.memref_slice %arg2[%dma_start3A_44, %dma_start3A_45] : memref<10240x128xf32, #tpu.memory_space<hbm>> -> memref<10240x128xf32, #tpu.memory_space<hbm>>
      tpu.enqueue_indirect_dma source(%dma_start3A_46 : memref<10240x128xf32, #tpu.memory_space<hbm>>) target(%arg8 : memref<128x128xf32, #tpu.memory_space<vmem>>) offsets(%dma_start3A_43 : memref<128xi32, #tpu.memory_space<vmem>>) semaphore(%arg11 : memref<!tpu.dma_semaphore, #tpu.memory_space<semaphore_mem>>)
      %scan3A_47 = arith.constant 0 : i32
      %scan3A_48 = arith.constant 0 : i32
      %scan3A_49 = arith.constant 24 : i32
      %scan3A_50 = arith.addi %scan3A_48, %scan3A_49 : i32
      %scan3A_51 = arith.constant 1 : i32
      %scan3A_52 = scf.for %scan3A_86 = %scan3A_48 to %scan3A_50 step %scan3A_51 iter_args(%scan3A_87 = %scan3A_47) -> (i32)  : i32 {
        %mul3A_88 = arith.constant 2 : i32
        %mul3A_89 = arith.muli %mul3A_88, %scan3A_86 : i32
        %add3A_90 = arith.constant 0 : i32
        %add3A_91 = arith.addi %mul3A_89, %add3A_90 : i32
        %dma_wait3A = arith.constant 0 : i32
        %dma_wait3A_92 = tpu.memref_slice %arg6[%add3A_91, %dma_wait3A] : memref<48x128xi32, #tpu.memory_space<vmem>> -> memref<1x128xi32, #tpu.memory_space<vmem>>
        %dma_wait3A_93 = tpu.memref_squeeze %dma_wait3A_92 : memref<1x128xi32, #tpu.memory_space<vmem>> -> memref<128xi32, #tpu.memory_space<vmem>>
        %dma_wait3A_94 = arith.constant 0 : i32
        %dma_wait3A_95 = arith.constant 0 : i32
        %dma_wait3A_96 = tpu.memref_slice %arg2[%dma_wait3A_94, %dma_wait3A_95] : memref<10240x128xf32, #tpu.memory_space<hbm>> -> memref<10240x128xf32, #tpu.memory_space<hbm>>
        tpu.wait_indirect_dma semaphore(%arg11 : memref<!tpu.dma_semaphore, #tpu.memory_space<semaphore_mem>>) src(%dma_wait3A_96 : memref<10240x128xf32, #tpu.memory_space<hbm>>) dst(%arg8 : memref<128x128xf32, #tpu.memory_space<vmem>>)
        %add3A_97 = arith.constant 1 : i32
        %add3A_98 = arith.addi %add3A_91, %add3A_97 : i32
        %lt3A = arith.constant 48 : i32
        %lt3A_99 = arith.cmpi slt, %add3A_98, %lt3A : i32
        %convert_element_type3A_100 = arith.extui %lt3A_99 : i1 to i32
        %cond3A_101 = arith.constant 0 : i32
        %cond3A_102 = arith.cmpi ne, %convert_element_type3A_100, %cond3A_101 : i32
        scf.if %cond3A_102 {
          %add3A_121 = arith.constant 1 : i32
          %add3A_122 = arith.addi %add3A_91, %add3A_121 : i32
          %dma_start3A_123 = arith.constant 0 : i32
          %dma_start3A_124 = tpu.memref_slice %arg6[%add3A_122, %dma_start3A_123] : memref<48x128xi32, #tpu.memory_space<vmem>> -> memref<1x128xi32, #tpu.memory_space<vmem>>
          %dma_start3A_125 = tpu.memref_squeeze %dma_start3A_124 : memref<1x128xi32, #tpu.memory_space<vmem>> -> memref<128xi32, #tpu.memory_space<vmem>>
          %dma_start3A_126 = arith.constant 0 : i32
          %dma_start3A_127 = arith.constant 0 : i32
          %dma_start3A_128 = tpu.memref_slice %arg2[%dma_start3A_126, %dma_start3A_127] : memref<10240x128xf32, #tpu.memory_space<hbm>> -> memref<10240x128xf32, #tpu.memory_space<hbm>>
          tpu.enqueue_indirect_dma source(%dma_start3A_128 : memref<10240x128xf32, #tpu.memory_space<hbm>>) target(%arg9 : memref<128x128xf32, #tpu.memory_space<vmem>>) offsets(%dma_start3A_125 : memref<128xi32, #tpu.memory_space<vmem>>) semaphore(%arg12 : memref<!tpu.dma_semaphore, #tpu.memory_space<semaphore_mem>>)
        } else {
        }
        "tpu.region"() ({
          %run_scoped3A = tpu.sem_alloc : memref<!tpu.dma_semaphore, #tpu.memory_space<semaphore_mem>>
          %dma_start3A_121 = arith.constant 0 : i32
          %dma_start3A_122 = tpu.memref_slice %arg7[%add3A_91, %dma_start3A_121] : memref<48x128xi32, #tpu.memory_space<vmem>> -> memref<1x128xi32, #tpu.memory_space<vmem>>
          %dma_start3A_123 = tpu.memref_squeeze %dma_start3A_122 : memref<1x128xi32, #tpu.memory_space<vmem>> -> memref<128xi32, #tpu.memory_space<vmem>>
          %dma_start3A_124 = arith.constant 0 : i32
          %dma_start3A_125 = arith.constant 0 : i32
          %dma_start3A_126 = tpu.memref_slice %arg10[%dma_start3A_124, %dma_start3A_125] : memref<10240x128xf32, #tpu.memory_space<vmem_shared>> -> memref<10240x128xf32, #tpu.memory_space<vmem_shared>>
          tpu.enqueue_indirect_dma source(%arg8 : memref<128x128xf32, #tpu.memory_space<vmem>>) target(%dma_start3A_126 : memref<10240x128xf32, #tpu.memory_space<vmem_shared>>) offsets(%dma_start3A_123 : memref<128xi32, #tpu.memory_space<vmem>>) semaphore(%run_scoped3A : memref<!tpu.dma_semaphore, #tpu.memory_space<semaphore_mem>>) {add = true}
          %dma_wait3A_127 = arith.constant 0 : i32
          %dma_wait3A_128 = tpu.memref_slice %arg7[%add3A_91, %dma_wait3A_127] : memref<48x128xi32, #tpu.memory_space<vmem>> -> memref<1x128xi32, #tpu.memory_space<vmem>>
          %dma_wait3A_129 = tpu.memref_squeeze %dma_wait3A_128 : memref<1x128xi32, #tpu.memory_space<vmem>> -> memref<128xi32, #tpu.memory_space<vmem>>
          %dma_wait3A_130 = arith.constant 0 : i32
          %dma_wait3A_131 = arith.constant 0 : i32
          %dma_wait3A_132 = tpu.memref_slice %arg10[%dma_wait3A_130, %dma_wait3A_131] : memref<10240x128xf32, #tpu.memory_space<vmem_shared>> -> memref<10240x128xf32, #tpu.memory_space<vmem_shared>>
          tpu.wait_indirect_dma semaphore(%run_scoped3A : memref<!tpu.dma_semaphore, #tpu.memory_space<semaphore_mem>>) src(%arg8 : memref<128x128xf32, #tpu.memory_space<vmem>>) dst(%dma_wait3A_132 : memref<10240x128xf32, #tpu.memory_space<vmem_shared>>)
          tpu.yield
        }) : () -> ()
        %mul3A_103 = arith.constant 2 : i32
        %mul3A_104 = arith.muli %mul3A_103, %scan3A_86 : i32
        %add3A_105 = arith.constant 1 : i32
        %add3A_106 = arith.addi %mul3A_104, %add3A_105 : i32
        %dma_wait3A_107 = arith.constant 0 : i32
        %dma_wait3A_108 = tpu.memref_slice %arg6[%add3A_106, %dma_wait3A_107] : memref<48x128xi32, #tpu.memory_space<vmem>> -> memref<1x128xi32, #tpu.memory_space<vmem>>
        %dma_wait3A_109 = tpu.memref_squeeze %dma_wait3A_108 : memref<1x128xi32, #tpu.memory_space<vmem>> -> memref<128xi32, #tpu.memory_space<vmem>>
        %dma_wait3A_110 = arith.constant 0 : i32
        %dma_wait3A_111 = arith.constant 0 : i32
        %dma_wait3A_112 = tpu.memref_slice %arg2[%dma_wait3A_110, %dma_wait3A_111] : memref<10240x128xf32, #tpu.memory_space<hbm>> -> memref<10240x128xf32, #tpu.memory_space<hbm>>
        tpu.wait_indirect_dma semaphore(%arg12 : memref<!tpu.dma_semaphore, #tpu.memory_space<semaphore_mem>>) src(%dma_wait3A_112 : memref<10240x128xf32, #tpu.memory_space<hbm>>) dst(%arg9 : memref<128x128xf32, #tpu.memory_space<vmem>>)
        %add3A_113 = arith.constant 1 : i32
        %add3A_114 = arith.addi %add3A_106, %add3A_113 : i32
        %lt3A_115 = arith.constant 48 : i32
        %lt3A_116 = arith.cmpi slt, %add3A_114, %lt3A_115 : i32
        %convert_element_type3A_117 = arith.extui %lt3A_116 : i1 to i32
        %cond3A_118 = arith.constant 0 : i32
        %cond3A_119 = arith.cmpi ne, %convert_element_type3A_117, %cond3A_118 : i32
        scf.if %cond3A_119 {
          %add3A_121 = arith.constant 1 : i32
          %add3A_122 = arith.addi %add3A_106, %add3A_121 : i32
          %dma_start3A_123 = arith.constant 0 : i32
          %dma_start3A_124 = tpu.memref_slice %arg6[%add3A_122, %dma_start3A_123] : memref<48x128xi32, #tpu.memory_space<vmem>> -> memref<1x128xi32, #tpu.memory_space<vmem>>
          %dma_start3A_125 = tpu.memref_squeeze %dma_start3A_124 : memref<1x128xi32, #tpu.memory_space<vmem>> -> memref<128xi32, #tpu.memory_space<vmem>>
          %dma_start3A_126 = arith.constant 0 : i32
          %dma_start3A_127 = arith.constant 0 : i32
          %dma_start3A_128 = tpu.memref_slice %arg2[%dma_start3A_126, %dma_start3A_127] : memref<10240x128xf32, #tpu.memory_space<hbm>> -> memref<10240x128xf32, #tpu.memory_space<hbm>>
          tpu.enqueue_indirect_dma source(%dma_start3A_128 : memref<10240x128xf32, #tpu.memory_space<hbm>>) target(%arg8 : memref<128x128xf32, #tpu.memory_space<vmem>>) offsets(%dma_start3A_125 : memref<128xi32, #tpu.memory_space<vmem>>) semaphore(%arg11 : memref<!tpu.dma_semaphore, #tpu.memory_space<semaphore_mem>>)
        } else {
        }
        "tpu.region"() ({
          %run_scoped3A = tpu.sem_alloc : memref<!tpu.dma_semaphore, #tpu.memory_space<semaphore_mem>>
          %dma_start3A_121 = arith.constant 0 : i32
          %dma_start3A_122 = tpu.memref_slice %arg7[%add3A_106, %dma_start3A_121] : memref<48x128xi32, #tpu.memory_space<vmem>> -> memref<1x128xi32, #tpu.memory_space<vmem>>
          %dma_start3A_123 = tpu.memref_squeeze %dma_start3A_122 : memref<1x128xi32, #tpu.memory_space<vmem>> -> memref<128xi32, #tpu.memory_space<vmem>>
          %dma_start3A_124 = arith.constant 0 : i32
          %dma_start3A_125 = arith.constant 0 : i32
          %dma_start3A_126 = tpu.memref_slice %arg10[%dma_start3A_124, %dma_start3A_125] : memref<10240x128xf32, #tpu.memory_space<vmem_shared>> -> memref<10240x128xf32, #tpu.memory_space<vmem_shared>>
          tpu.enqueue_indirect_dma source(%arg9 : memref<128x128xf32, #tpu.memory_space<vmem>>) target(%dma_start3A_126 : memref<10240x128xf32, #tpu.memory_space<vmem_shared>>) offsets(%dma_start3A_123 : memref<128xi32, #tpu.memory_space<vmem>>) semaphore(%run_scoped3A : memref<!tpu.dma_semaphore, #tpu.memory_space<semaphore_mem>>) {add = true}
          %dma_wait3A_127 = arith.constant 0 : i32
          %dma_wait3A_128 = tpu.memref_slice %arg7[%add3A_106, %dma_wait3A_127] : memref<48x128xi32, #tpu.memory_space<vmem>> -> memref<1x128xi32, #tpu.memory_space<vmem>>
          %dma_wait3A_129 = tpu.memref_squeeze %dma_wait3A_128 : memref<1x128xi32, #tpu.memory_space<vmem>> -> memref<128xi32, #tpu.memory_space<vmem>>
          %dma_wait3A_130 = arith.constant 0 : i32
          %dma_wait3A_131 = arith.constant 0 : i32
          %dma_wait3A_132 = tpu.memref_slice %arg10[%dma_wait3A_130, %dma_wait3A_131] : memref<10240x128xf32, #tpu.memory_space<vmem_shared>> -> memref<10240x128xf32, #tpu.memory_space<vmem_shared>>
          tpu.wait_indirect_dma semaphore(%run_scoped3A : memref<!tpu.dma_semaphore, #tpu.memory_space<semaphore_mem>>) src(%arg9 : memref<128x128xf32, #tpu.memory_space<vmem>>) dst(%dma_wait3A_132 : memref<10240x128xf32, #tpu.memory_space<vmem_shared>>)
          tpu.yield
        }) : () -> ()
        %scan3A_120 = arith.constant 0 : i32
        scf.yield %scan3A_120 : i32
      }
      %scan3A_53 = arith.constant 24 : i32
      %add3A_54 = arith.constant 48 : i32
      %add3A_55 = arith.addi %mul3A_38, %add3A_54 : i32
      "tpu.region"() ({
        %run_scoped3A = tpu.sem_alloc : memref<!tpu.dma_semaphore, #tpu.memory_space<semaphore_mem>>
        %dma_start3A_86 = arith.constant 0 : i32
        %dma_start3A_87 = arith.constant 0 : i32
        %dma_start3A_88 = tpu.memref_slice %arg6[%dma_start3A_86, %dma_start3A_87] : memref<48x128xi32, #tpu.memory_space<vmem>> -> memref<48x128xi32, #tpu.memory_space<vmem>>
        %dma_start3A_89 = arith.constant 0 : i32
        %dma_start3A_90 = tpu.memref_slice %arg3[%add3A_55, %dma_start3A_89] : memref<2560x128xi32, #tpu.memory_space<hbm>> -> memref<48x128xi32, #tpu.memory_space<hbm>>
        %dma_start3A_91 = arith.constant 0 : i32
        %dma_start3A_92 = arith.constant 0 : i32
        %dma_start3A_93 = tpu.memref_slice %arg6[%dma_start3A_91, %dma_start3A_92] : memref<48x128xi32, #tpu.memory_space<vmem>> -> memref<48x128xi32, #tpu.memory_space<vmem>>
        %dma_start3A_94 = arith.constant 0 : i32
        %dma_start3A_95 = tpu.memref_slice %arg3[%add3A_55, %dma_start3A_94] : memref<2560x128xi32, #tpu.memory_space<hbm>> -> memref<48x128xi32, #tpu.memory_space<hbm>>
        tpu.enqueue_dma source(%dma_start3A_95 : memref<48x128xi32, #tpu.memory_space<hbm>>) target(%dma_start3A_93 : memref<48x128xi32, #tpu.memory_space<vmem>>) target_semaphore(%run_scoped3A : memref<!tpu.dma_semaphore, #tpu.memory_space<semaphore_mem>>)
        %dma_wait3A = arith.constant 0 : i32
        %dma_wait3A_96 = arith.constant 0 : i32
        %dma_wait3A_97 = tpu.memref_slice %arg6[%dma_wait3A, %dma_wait3A_96] : memref<48x128xi32, #tpu.memory_space<vmem>> -> memref<48x128xi32, #tpu.memory_space<vmem>>
        %dma_wait3A_98 = arith.constant 0 : i32
        %dma_wait3A_99 = tpu.memref_slice %arg3[%add3A_55, %dma_wait3A_98] : memref<2560x128xi32, #tpu.memory_space<hbm>> -> memref<48x128xi32, #tpu.memory_space<hbm>>
        %dma_wait3A_100 = arith.constant 0 : i32
        %dma_wait3A_101 = arith.constant 0 : i32
        %dma_wait3A_102 = tpu.memref_slice %arg6[%dma_wait3A_100, %dma_wait3A_101] : memref<48x128xi32, #tpu.memory_space<vmem>> -> memref<48x128xi32, #tpu.memory_space<vmem>>
        %dma_wait3A_103 = arith.constant 0 : i32
        %dma_wait3A_104 = tpu.memref_slice %arg3[%add3A_55, %dma_wait3A_103] : memref<2560x128xi32, #tpu.memory_space<hbm>> -> memref<48x128xi32, #tpu.memory_space<hbm>>
        tpu.wait_dma2 semaphore(%run_scoped3A : memref<!tpu.dma_semaphore, #tpu.memory_space<semaphore_mem>>) src(%dma_wait3A_104 : memref<48x128xi32, #tpu.memory_space<hbm>>) dst(%dma_wait3A_102 : memref<48x128xi32, #tpu.memory_space<vmem>>)
        tpu.yield
      }) : () -> ()
      "tpu.region"() ({
        %run_scoped3A = tpu.sem_alloc : memref<!tpu.dma_semaphore, #tpu.memory_space<semaphore_mem>>
        %dma_start3A_86 = arith.constant 0 : i32
        %dma_start3A_87 = arith.constant 0 : i32
        %dma_start3A_88 = tpu.memref_slice %arg7[%dma_start3A_86, %dma_start3A_87] : memref<48x128xi32, #tpu.memory_space<vmem>> -> memref<48x128xi32, #tpu.memory_space<vmem>>
        %dma_start3A_89 = arith.constant 0 : i32
        %dma_start3A_90 = tpu.memref_slice %arg4[%add3A_55, %dma_start3A_89] : memref<2560x128xi32, #tpu.memory_space<hbm>> -> memref<48x128xi32, #tpu.memory_space<hbm>>
        %dma_start3A_91 = arith.constant 0 : i32
        %dma_start3A_92 = arith.constant 0 : i32
        %dma_start3A_93 = tpu.memref_slice %arg7[%dma_start3A_91, %dma_start3A_92] : memref<48x128xi32, #tpu.memory_space<vmem>> -> memref<48x128xi32, #tpu.memory_space<vmem>>
        %dma_start3A_94 = arith.constant 0 : i32
        %dma_start3A_95 = tpu.memref_slice %arg4[%add3A_55, %dma_start3A_94] : memref<2560x128xi32, #tpu.memory_space<hbm>> -> memref<48x128xi32, #tpu.memory_space<hbm>>
        tpu.enqueue_dma source(%dma_start3A_95 : memref<48x128xi32, #tpu.memory_space<hbm>>) target(%dma_start3A_93 : memref<48x128xi32, #tpu.memory_space<vmem>>) target_semaphore(%run_scoped3A : memref<!tpu.dma_semaphore, #tpu.memory_space<semaphore_mem>>)
        %dma_wait3A = arith.constant 0 : i32
        %dma_wait3A_96 = arith.constant 0 : i32
        %dma_wait3A_97 = tpu.memref_slice %arg7[%dma_wait3A, %dma_wait3A_96] : memref<48x128xi32, #tpu.memory_space<vmem>> -> memref<48x128xi32, #tpu.memory_space<vmem>>
        %dma_wait3A_98 = arith.constant 0 : i32
        %dma_wait3A_99 = tpu.memref_slice %arg4[%add3A_55, %dma_wait3A_98] : memref<2560x128xi32, #tpu.memory_space<hbm>> -> memref<48x128xi32, #tpu.memory_space<hbm>>
        %dma_wait3A_100 = arith.constant 0 : i32
        %dma_wait3A_101 = arith.constant 0 : i32
        %dma_wait3A_102 = tpu.memref_slice %arg7[%dma_wait3A_100, %dma_wait3A_101] : memref<48x128xi32, #tpu.memory_space<vmem>> -> memref<48x128xi32, #tpu.memory_space<vmem>>
        %dma_wait3A_103 = arith.constant 0 : i32
        %dma_wait3A_104 = tpu.memref_slice %arg4[%add3A_55, %dma_wait3A_103] : memref<2560x128xi32, #tpu.memory_space<hbm>> -> memref<48x128xi32, #tpu.memory_space<hbm>>
        tpu.wait_dma2 semaphore(%run_scoped3A : memref<!tpu.dma_semaphore, #tpu.memory_space<semaphore_mem>>) src(%dma_wait3A_104 : memref<48x128xi32, #tpu.memory_space<hbm>>) dst(%dma_wait3A_102 : memref<48x128xi32, #tpu.memory_space<vmem>>)
        tpu.yield
      }) : () -> ()
      %dma_start3A_56 = arith.constant 0 : i32
      %dma_start3A_57 = arith.constant 0 : i32
      %dma_start3A_58 = tpu.memref_slice %arg6[%dma_start3A_56, %dma_start3A_57] : memref<48x128xi32, #tpu.memory_space<vmem>> -> memref<1x128xi32, #tpu.memory_space<vmem>>
      %dma_start3A_59 = tpu.memref_squeeze %dma_start3A_58 : memref<1x128xi32, #tpu.memory_space<vmem>> -> memref<128xi32, #tpu.memory_space<vmem>>
      %dma_start3A_60 = arith.constant 0 : i32
      %dma_start3A_61 = arith.constant 0 : i32
      %dma_start3A_62 = tpu.memref_slice %arg2[%dma_start3A_60, %dma_start3A_61] : memref<10240x128xf32, #tpu.memory_space<hbm>> -> memref<10240x128xf32, #tpu.memory_space<hbm>>
      tpu.enqueue_indirect_dma source(%dma_start3A_62 : memref<10240x128xf32, #tpu.memory_space<hbm>>) target(%arg8 : memref<128x128xf32, #tpu.memory_space<vmem>>) offsets(%dma_start3A_59 : memref<128xi32, #tpu.memory_space<vmem>>) semaphore(%arg11 : memref<!tpu.dma_semaphore, #tpu.memory_space<semaphore_mem>>)
      %scan3A_63 = arith.constant 0 : i32
      %scan3A_64 = arith.constant 0 : i32
      %scan3A_65 = arith.constant 24 : i32
      %scan3A_66 = arith.addi %scan3A_64, %scan3A_65 : i32
      %scan3A_67 = arith.constant 1 : i32
      %scan3A_68 = scf.for %scan3A_86 = %scan3A_64 to %scan3A_66 step %scan3A_67 iter_args(%scan3A_87 = %scan3A_63) -> (i32)  : i32 {
        %mul3A_88 = arith.constant 2 : i32
        %mul3A_89 = arith.muli %mul3A_88, %scan3A_86 : i32
        %add3A_90 = arith.constant 0 : i32
        %add3A_91 = arith.addi %mul3A_89, %add3A_90 : i32
        %dma_wait3A = arith.constant 0 : i32
        %dma_wait3A_92 = tpu.memref_slice %arg6[%add3A_91, %dma_wait3A] : memref<48x128xi32, #tpu.memory_space<vmem>> -> memref<1x128xi32, #tpu.memory_space<vmem>>
        %dma_wait3A_93 = tpu.memref_squeeze %dma_wait3A_92 : memref<1x128xi32, #tpu.memory_space<vmem>> -> memref<128xi32, #tpu.memory_space<vmem>>
        %dma_wait3A_94 = arith.constant 0 : i32
        %dma_wait3A_95 = arith.constant 0 : i32
        %dma_wait3A_96 = tpu.memref_slice %arg2[%dma_wait3A_94, %dma_wait3A_95] : memref<10240x128xf32, #tpu.memory_space<hbm>> -> memref<10240x128xf32, #tpu.memory_space<hbm>>
        tpu.wait_indirect_dma semaphore(%arg11 : memref<!tpu.dma_semaphore, #tpu.memory_space<semaphore_mem>>) src(%dma_wait3A_96 : memref<10240x128xf32, #tpu.memory_space<hbm>>) dst(%arg8 : memref<128x128xf32, #tpu.memory_space<vmem>>)
        %add3A_97 = arith.constant 1 : i32
        %add3A_98 = arith.addi %add3A_91, %add3A_97 : i32
        %lt3A = arith.constant 48 : i32
        %lt3A_99 = arith.cmpi slt, %add3A_98, %lt3A : i32
        %convert_element_type3A_100 = arith.extui %lt3A_99 : i1 to i32
        %cond3A_101 = arith.constant 0 : i32
        %cond3A_102 = arith.cmpi ne, %convert_element_type3A_100, %cond3A_101 : i32
        scf.if %cond3A_102 {
          %add3A_121 = arith.constant 1 : i32
          %add3A_122 = arith.addi %add3A_91, %add3A_121 : i32
          %dma_start3A_123 = arith.constant 0 : i32
          %dma_start3A_124 = tpu.memref_slice %arg6[%add3A_122, %dma_start3A_123] : memref<48x128xi32, #tpu.memory_space<vmem>> -> memref<1x128xi32, #tpu.memory_space<vmem>>
          %dma_start3A_125 = tpu.memref_squeeze %dma_start3A_124 : memref<1x128xi32, #tpu.memory_space<vmem>> -> memref<128xi32, #tpu.memory_space<vmem>>
          %dma_start3A_126 = arith.constant 0 : i32
          %dma_start3A_127 = arith.constant 0 : i32
          %dma_start3A_128 = tpu.memref_slice %arg2[%dma_start3A_126, %dma_start3A_127] : memref<10240x128xf32, #tpu.memory_space<hbm>> -> memref<10240x128xf32, #tpu.memory_space<hbm>>
          tpu.enqueue_indirect_dma source(%dma_start3A_128 : memref<10240x128xf32, #tpu.memory_space<hbm>>) target(%arg9 : memref<128x128xf32, #tpu.memory_space<vmem>>) offsets(%dma_start3A_125 : memref<128xi32, #tpu.memory_space<vmem>>) semaphore(%arg12 : memref<!tpu.dma_semaphore, #tpu.memory_space<semaphore_mem>>)
        } else {
        }
        "tpu.region"() ({
          %run_scoped3A = tpu.sem_alloc : memref<!tpu.dma_semaphore, #tpu.memory_space<semaphore_mem>>
          %dma_start3A_121 = arith.constant 0 : i32
          %dma_start3A_122 = tpu.memref_slice %arg7[%add3A_91, %dma_start3A_121] : memref<48x128xi32, #tpu.memory_space<vmem>> -> memref<1x128xi32, #tpu.memory_space<vmem>>
          %dma_start3A_123 = tpu.memref_squeeze %dma_start3A_122 : memref<1x128xi32, #tpu.memory_space<vmem>> -> memref<128xi32, #tpu.memory_space<vmem>>
          %dma_start3A_124 = arith.constant 0 : i32
          %dma_start3A_125 = arith.constant 0 : i32
          %dma_start3A_126 = tpu.memref_slice %arg10[%dma_start3A_124, %dma_start3A_125] : memref<10240x128xf32, #tpu.memory_space<vmem_shared>> -> memref<10240x128xf32, #tpu.memory_space<vmem_shared>>
          tpu.enqueue_indirect_dma source(%arg8 : memref<128x128xf32, #tpu.memory_space<vmem>>) target(%dma_start3A_126 : memref<10240x128xf32, #tpu.memory_space<vmem_shared>>) offsets(%dma_start3A_123 : memref<128xi32, #tpu.memory_space<vmem>>) semaphore(%run_scoped3A : memref<!tpu.dma_semaphore, #tpu.memory_space<semaphore_mem>>) {add = true}
          %dma_wait3A_127 = arith.constant 0 : i32
          %dma_wait3A_128 = tpu.memref_slice %arg7[%add3A_91, %dma_wait3A_127] : memref<48x128xi32, #tpu.memory_space<vmem>> -> memref<1x128xi32, #tpu.memory_space<vmem>>
          %dma_wait3A_129 = tpu.memref_squeeze %dma_wait3A_128 : memref<1x128xi32, #tpu.memory_space<vmem>> -> memref<128xi32, #tpu.memory_space<vmem>>
          %dma_wait3A_130 = arith.constant 0 : i32
          %dma_wait3A_131 = arith.constant 0 : i32
          %dma_wait3A_132 = tpu.memref_slice %arg10[%dma_wait3A_130, %dma_wait3A_131] : memref<10240x128xf32, #tpu.memory_space<vmem_shared>> -> memref<10240x128xf32, #tpu.memory_space<vmem_shared>>
          tpu.wait_indirect_dma semaphore(%run_scoped3A : memref<!tpu.dma_semaphore, #tpu.memory_space<semaphore_mem>>) src(%arg8 : memref<128x128xf32, #tpu.memory_space<vmem>>) dst(%dma_wait3A_132 : memref<10240x128xf32, #tpu.memory_space<vmem_shared>>)
          tpu.yield
        }) : () -> ()
        %mul3A_103 = arith.constant 2 : i32
        %mul3A_104 = arith.muli %mul3A_103, %scan3A_86 : i32
        %add3A_105 = arith.constant 1 : i32
        %add3A_106 = arith.addi %mul3A_104, %add3A_105 : i32
        %dma_wait3A_107 = arith.constant 0 : i32
        %dma_wait3A_108 = tpu.memref_slice %arg6[%add3A_106, %dma_wait3A_107] : memref<48x128xi32, #tpu.memory_space<vmem>> -> memref<1x128xi32, #tpu.memory_space<vmem>>
        %dma_wait3A_109 = tpu.memref_squeeze %dma_wait3A_108 : memref<1x128xi32, #tpu.memory_space<vmem>> -> memref<128xi32, #tpu.memory_space<vmem>>
        %dma_wait3A_110 = arith.constant 0 : i32
        %dma_wait3A_111 = arith.constant 0 : i32
        %dma_wait3A_112 = tpu.memref_slice %arg2[%dma_wait3A_110, %dma_wait3A_111] : memref<10240x128xf32, #tpu.memory_space<hbm>> -> memref<10240x128xf32, #tpu.memory_space<hbm>>
        tpu.wait_indirect_dma semaphore(%arg12 : memref<!tpu.dma_semaphore, #tpu.memory_space<semaphore_mem>>) src(%dma_wait3A_112 : memref<10240x128xf32, #tpu.memory_space<hbm>>) dst(%arg9 : memref<128x128xf32, #tpu.memory_space<vmem>>)
        %add3A_113 = arith.constant 1 : i32
        %add3A_114 = arith.addi %add3A_106, %add3A_113 : i32
        %lt3A_115 = arith.constant 48 : i32
        %lt3A_116 = arith.cmpi slt, %add3A_114, %lt3A_115 : i32
        %convert_element_type3A_117 = arith.extui %lt3A_116 : i1 to i32
        %cond3A_118 = arith.constant 0 : i32
        %cond3A_119 = arith.cmpi ne, %convert_element_type3A_117, %cond3A_118 : i32
        scf.if %cond3A_119 {
          %add3A_121 = arith.constant 1 : i32
          %add3A_122 = arith.addi %add3A_106, %add3A_121 : i32
          %dma_start3A_123 = arith.constant 0 : i32
          %dma_start3A_124 = tpu.memref_slice %arg6[%add3A_122, %dma_start3A_123] : memref<48x128xi32, #tpu.memory_space<vmem>> -> memref<1x128xi32, #tpu.memory_space<vmem>>
          %dma_start3A_125 = tpu.memref_squeeze %dma_start3A_124 : memref<1x128xi32, #tpu.memory_space<vmem>> -> memref<128xi32, #tpu.memory_space<vmem>>
          %dma_start3A_126 = arith.constant 0 : i32
          %dma_start3A_127 = arith.constant 0 : i32
          %dma_start3A_128 = tpu.memref_slice %arg2[%dma_start3A_126, %dma_start3A_127] : memref<10240x128xf32, #tpu.memory_space<hbm>> -> memref<10240x128xf32, #tpu.memory_space<hbm>>
          tpu.enqueue_indirect_dma source(%dma_start3A_128 : memref<10240x128xf32, #tpu.memory_space<hbm>>) target(%arg8 : memref<128x128xf32, #tpu.memory_space<vmem>>) offsets(%dma_start3A_125 : memref<128xi32, #tpu.memory_space<vmem>>) semaphore(%arg11 : memref<!tpu.dma_semaphore, #tpu.memory_space<semaphore_mem>>)
        } else {
        }
        "tpu.region"() ({
          %run_scoped3A = tpu.sem_alloc : memref<!tpu.dma_semaphore, #tpu.memory_space<semaphore_mem>>
          %dma_start3A_121 = arith.constant 0 : i32
          %dma_start3A_122 = tpu.memref_slice %arg7[%add3A_106, %dma_start3A_121] : memref<48x128xi32, #tpu.memory_space<vmem>> -> memref<1x128xi32, #tpu.memory_space<vmem>>
          %dma_start3A_123 = tpu.memref_squeeze %dma_start3A_122 : memref<1x128xi32, #tpu.memory_space<vmem>> -> memref<128xi32, #tpu.memory_space<vmem>>
          %dma_start3A_124 = arith.constant 0 : i32
          %dma_start3A_125 = arith.constant 0 : i32
          %dma_start3A_126 = tpu.memref_slice %arg10[%dma_start3A_124, %dma_start3A_125] : memref<10240x128xf32, #tpu.memory_space<vmem_shared>> -> memref<10240x128xf32, #tpu.memory_space<vmem_shared>>
          tpu.enqueue_indirect_dma source(%arg9 : memref<128x128xf32, #tpu.memory_space<vmem>>) target(%dma_start3A_126 : memref<10240x128xf32, #tpu.memory_space<vmem_shared>>) offsets(%dma_start3A_123 : memref<128xi32, #tpu.memory_space<vmem>>) semaphore(%run_scoped3A : memref<!tpu.dma_semaphore, #tpu.memory_space<semaphore_mem>>) {add = true}
          %dma_wait3A_127 = arith.constant 0 : i32
          %dma_wait3A_128 = tpu.memref_slice %arg7[%add3A_106, %dma_wait3A_127] : memref<48x128xi32, #tpu.memory_space<vmem>> -> memref<1x128xi32, #tpu.memory_space<vmem>>
          %dma_wait3A_129 = tpu.memref_squeeze %dma_wait3A_128 : memref<1x128xi32, #tpu.memory_space<vmem>> -> memref<128xi32, #tpu.memory_space<vmem>>
          %dma_wait3A_130 = arith.constant 0 : i32
          %dma_wait3A_131 = arith.constant 0 : i32
          %dma_wait3A_132 = tpu.memref_slice %arg10[%dma_wait3A_130, %dma_wait3A_131] : memref<10240x128xf32, #tpu.memory_space<vmem_shared>> -> memref<10240x128xf32, #tpu.memory_space<vmem_shared>>
          tpu.wait_indirect_dma semaphore(%run_scoped3A : memref<!tpu.dma_semaphore, #tpu.memory_space<semaphore_mem>>) src(%arg9 : memref<128x128xf32, #tpu.memory_space<vmem>>) dst(%dma_wait3A_132 : memref<10240x128xf32, #tpu.memory_space<vmem_shared>>)
          tpu.yield
        }) : () -> ()
        %scan3A_120 = arith.constant 0 : i32
        scf.yield %scan3A_120 : i32
      }
      %scan3A_69 = arith.constant 24 : i32
      %add3A_70 = arith.constant 96 : i32
      %add3A_71 = arith.addi %mul3A_38, %add3A_70 : i32
      "tpu.region"() ({
        %run_scoped3A = tpu.sem_alloc : memref<!tpu.dma_semaphore, #tpu.memory_space<semaphore_mem>>
        %dma_start3A_86 = arith.constant 0 : i32
        %dma_start3A_87 = arith.constant 0 : i32
        %dma_start3A_88 = tpu.memref_slice %arg6[%dma_start3A_86, %dma_start3A_87] : memref<48x128xi32, #tpu.memory_space<vmem>> -> memref<48x128xi32, #tpu.memory_space<vmem>>
        %dma_start3A_89 = arith.constant 0 : i32
        %dma_start3A_90 = tpu.memref_slice %arg3[%add3A_71, %dma_start3A_89] : memref<2560x128xi32, #tpu.memory_space<hbm>> -> memref<48x128xi32, #tpu.memory_space<hbm>>
        %dma_start3A_91 = arith.constant 0 : i32
        %dma_start3A_92 = arith.constant 0 : i32
        %dma_start3A_93 = tpu.memref_slice %arg6[%dma_start3A_91, %dma_start3A_92] : memref<48x128xi32, #tpu.memory_space<vmem>> -> memref<48x128xi32, #tpu.memory_space<vmem>>
        %dma_start3A_94 = arith.constant 0 : i32
        %dma_start3A_95 = tpu.memref_slice %arg3[%add3A_71, %dma_start3A_94] : memref<2560x128xi32, #tpu.memory_space<hbm>> -> memref<48x128xi32, #tpu.memory_space<hbm>>
        tpu.enqueue_dma source(%dma_start3A_95 : memref<48x128xi32, #tpu.memory_space<hbm>>) target(%dma_start3A_93 : memref<48x128xi32, #tpu.memory_space<vmem>>) target_semaphore(%run_scoped3A : memref<!tpu.dma_semaphore, #tpu.memory_space<semaphore_mem>>)
        %dma_wait3A = arith.constant 0 : i32
        %dma_wait3A_96 = arith.constant 0 : i32
        %dma_wait3A_97 = tpu.memref_slice %arg6[%dma_wait3A, %dma_wait3A_96] : memref<48x128xi32, #tpu.memory_space<vmem>> -> memref<48x128xi32, #tpu.memory_space<vmem>>
        %dma_wait3A_98 = arith.constant 0 : i32
        %dma_wait3A_99 = tpu.memref_slice %arg3[%add3A_71, %dma_wait3A_98] : memref<2560x128xi32, #tpu.memory_space<hbm>> -> memref<48x128xi32, #tpu.memory_space<hbm>>
        %dma_wait3A_100 = arith.constant 0 : i32
        %dma_wait3A_101 = arith.constant 0 : i32
        %dma_wait3A_102 = tpu.memref_slice %arg6[%dma_wait3A_100, %dma_wait3A_101] : memref<48x128xi32, #tpu.memory_space<vmem>> -> memref<48x128xi32, #tpu.memory_space<vmem>>
        %dma_wait3A_103 = arith.constant 0 : i32
        %dma_wait3A_104 = tpu.memref_slice %arg3[%add3A_71, %dma_wait3A_103] : memref<2560x128xi32, #tpu.memory_space<hbm>> -> memref<48x128xi32, #tpu.memory_space<hbm>>
        tpu.wait_dma2 semaphore(%run_scoped3A : memref<!tpu.dma_semaphore, #tpu.memory_space<semaphore_mem>>) src(%dma_wait3A_104 : memref<48x128xi32, #tpu.memory_space<hbm>>) dst(%dma_wait3A_102 : memref<48x128xi32, #tpu.memory_space<vmem>>)
        tpu.yield
      }) : () -> ()
      "tpu.region"() ({
        %run_scoped3A = tpu.sem_alloc : memref<!tpu.dma_semaphore, #tpu.memory_space<semaphore_mem>>
        %dma_start3A_86 = arith.constant 0 : i32
        %dma_start3A_87 = arith.constant 0 : i32
        %dma_start3A_88 = tpu.memref_slice %arg7[%dma_start3A_86, %dma_start3A_87] : memref<48x128xi32, #tpu.memory_space<vmem>> -> memref<48x128xi32, #tpu.memory_space<vmem>>
        %dma_start3A_89 = arith.constant 0 : i32
        %dma_start3A_90 = tpu.memref_slice %arg4[%add3A_71, %dma_start3A_89] : memref<2560x128xi32, #tpu.memory_space<hbm>> -> memref<48x128xi32, #tpu.memory_space<hbm>>
        %dma_start3A_91 = arith.constant 0 : i32
        %dma_start3A_92 = arith.constant 0 : i32
        %dma_start3A_93 = tpu.memref_slice %arg7[%dma_start3A_91, %dma_start3A_92] : memref<48x128xi32, #tpu.memory_space<vmem>> -> memref<48x128xi32, #tpu.memory_space<vmem>>
        %dma_start3A_94 = arith.constant 0 : i32
        %dma_start3A_95 = tpu.memref_slice %arg4[%add3A_71, %dma_start3A_94] : memref<2560x128xi32, #tpu.memory_space<hbm>> -> memref<48x128xi32, #tpu.memory_space<hbm>>
        tpu.enqueue_dma source(%dma_start3A_95 : memref<48x128xi32, #tpu.memory_space<hbm>>) target(%dma_start3A_93 : memref<48x128xi32, #tpu.memory_space<vmem>>) target_semaphore(%run_scoped3A : memref<!tpu.dma_semaphore, #tpu.memory_space<semaphore_mem>>)
        %dma_wait3A = arith.constant 0 : i32
        %dma_wait3A_96 = arith.constant 0 : i32
        %dma_wait3A_97 = tpu.memref_slice %arg7[%dma_wait3A, %dma_wait3A_96] : memref<48x128xi32, #tpu.memory_space<vmem>> -> memref<48x128xi32, #tpu.memory_space<vmem>>
        %dma_wait3A_98 = arith.constant 0 : i32
        %dma_wait3A_99 = tpu.memref_slice %arg4[%add3A_71, %dma_wait3A_98] : memref<2560x128xi32, #tpu.memory_space<hbm>> -> memref<48x128xi32, #tpu.memory_space<hbm>>
        %dma_wait3A_100 = arith.constant 0 : i32
        %dma_wait3A_101 = arith.constant 0 : i32
        %dma_wait3A_102 = tpu.memref_slice %arg7[%dma_wait3A_100, %dma_wait3A_101] : memref<48x128xi32, #tpu.memory_space<vmem>> -> memref<48x128xi32, #tpu.memory_space<vmem>>
        %dma_wait3A_103 = arith.constant 0 : i32
        %dma_wait3A_104 = tpu.memref_slice %arg4[%add3A_71, %dma_wait3A_103] : memref<2560x128xi32, #tpu.memory_space<hbm>> -> memref<48x128xi32, #tpu.memory_space<hbm>>
        tpu.wait_dma2 semaphore(%run_scoped3A : memref<!tpu.dma_semaphore, #tpu.memory_space<semaphore_mem>>) src(%dma_wait3A_104 : memref<48x128xi32, #tpu.memory_space<hbm>>) dst(%dma_wait3A_102 : memref<48x128xi32, #tpu.memory_space<vmem>>)
        tpu.yield
      }) : () -> ()
      %dma_start3A_72 = arith.constant 0 : i32
      %dma_start3A_73 = arith.constant 0 : i32
      %dma_start3A_74 = tpu.memref_slice %arg6[%dma_start3A_72, %dma_start3A_73] : memref<48x128xi32, #tpu.memory_space<vmem>> -> memref<1x128xi32, #tpu.memory_space<vmem>>
      %dma_start3A_75 = tpu.memref_squeeze %dma_start3A_74 : memref<1x128xi32, #tpu.memory_space<vmem>> -> memref<128xi32, #tpu.memory_space<vmem>>
      %dma_start3A_76 = arith.constant 0 : i32
      %dma_start3A_77 = arith.constant 0 : i32
      %dma_start3A_78 = tpu.memref_slice %arg2[%dma_start3A_76, %dma_start3A_77] : memref<10240x128xf32, #tpu.memory_space<hbm>> -> memref<10240x128xf32, #tpu.memory_space<hbm>>
      tpu.enqueue_indirect_dma source(%dma_start3A_78 : memref<10240x128xf32, #tpu.memory_space<hbm>>) target(%arg8 : memref<128x128xf32, #tpu.memory_space<vmem>>) offsets(%dma_start3A_75 : memref<128xi32, #tpu.memory_space<vmem>>) semaphore(%arg11 : memref<!tpu.dma_semaphore, #tpu.memory_space<semaphore_mem>>)
      %scan3A_79 = arith.constant 0 : i32
      %scan3A_80 = arith.constant 0 : i32
      %scan3A_81 = arith.constant 24 : i32
      %scan3A_82 = arith.addi %scan3A_80, %scan3A_81 : i32
      %scan3A_83 = arith.constant 1 : i32
      %scan3A_84 = scf.for %scan3A_86 = %scan3A_80 to %scan3A_82 step %scan3A_83 iter_args(%scan3A_87 = %scan3A_79) -> (i32)  : i32 {
        %mul3A_88 = arith.constant 2 : i32
        %mul3A_89 = arith.muli %mul3A_88, %scan3A_86 : i32
        %add3A_90 = arith.constant 0 : i32
        %add3A_91 = arith.addi %mul3A_89, %add3A_90 : i32
        %dma_wait3A = arith.constant 0 : i32
        %dma_wait3A_92 = tpu.memref_slice %arg6[%add3A_91, %dma_wait3A] : memref<48x128xi32, #tpu.memory_space<vmem>> -> memref<1x128xi32, #tpu.memory_space<vmem>>
        %dma_wait3A_93 = tpu.memref_squeeze %dma_wait3A_92 : memref<1x128xi32, #tpu.memory_space<vmem>> -> memref<128xi32, #tpu.memory_space<vmem>>
        %dma_wait3A_94 = arith.constant 0 : i32
        %dma_wait3A_95 = arith.constant 0 : i32
        %dma_wait3A_96 = tpu.memref_slice %arg2[%dma_wait3A_94, %dma_wait3A_95] : memref<10240x128xf32, #tpu.memory_space<hbm>> -> memref<10240x128xf32, #tpu.memory_space<hbm>>
        tpu.wait_indirect_dma semaphore(%arg11 : memref<!tpu.dma_semaphore, #tpu.memory_space<semaphore_mem>>) src(%dma_wait3A_96 : memref<10240x128xf32, #tpu.memory_space<hbm>>) dst(%arg8 : memref<128x128xf32, #tpu.memory_space<vmem>>)
        %add3A_97 = arith.constant 1 : i32
        %add3A_98 = arith.addi %add3A_91, %add3A_97 : i32
        %lt3A = arith.constant 48 : i32
        %lt3A_99 = arith.cmpi slt, %add3A_98, %lt3A : i32
        %convert_element_type3A_100 = arith.extui %lt3A_99 : i1 to i32
        %cond3A_101 = arith.constant 0 : i32
        %cond3A_102 = arith.cmpi ne, %convert_element_type3A_100, %cond3A_101 : i32
        scf.if %cond3A_102 {
          %add3A_121 = arith.constant 1 : i32
          %add3A_122 = arith.addi %add3A_91, %add3A_121 : i32
          %dma_start3A_123 = arith.constant 0 : i32
          %dma_start3A_124 = tpu.memref_slice %arg6[%add3A_122, %dma_start3A_123] : memref<48x128xi32, #tpu.memory_space<vmem>> -> memref<1x128xi32, #tpu.memory_space<vmem>>
          %dma_start3A_125 = tpu.memref_squeeze %dma_start3A_124 : memref<1x128xi32, #tpu.memory_space<vmem>> -> memref<128xi32, #tpu.memory_space<vmem>>
          %dma_start3A_126 = arith.constant 0 : i32
          %dma_start3A_127 = arith.constant 0 : i32
          %dma_start3A_128 = tpu.memref_slice %arg2[%dma_start3A_126, %dma_start3A_127] : memref<10240x128xf32, #tpu.memory_space<hbm>> -> memref<10240x128xf32, #tpu.memory_space<hbm>>
          tpu.enqueue_indirect_dma source(%dma_start3A_128 : memref<10240x128xf32, #tpu.memory_space<hbm>>) target(%arg9 : memref<128x128xf32, #tpu.memory_space<vmem>>) offsets(%dma_start3A_125 : memref<128xi32, #tpu.memory_space<vmem>>) semaphore(%arg12 : memref<!tpu.dma_semaphore, #tpu.memory_space<semaphore_mem>>)
        } else {
        }
        "tpu.region"() ({
          %run_scoped3A = tpu.sem_alloc : memref<!tpu.dma_semaphore, #tpu.memory_space<semaphore_mem>>
          %dma_start3A_121 = arith.constant 0 : i32
          %dma_start3A_122 = tpu.memref_slice %arg7[%add3A_91, %dma_start3A_121] : memref<48x128xi32, #tpu.memory_space<vmem>> -> memref<1x128xi32, #tpu.memory_space<vmem>>
          %dma_start3A_123 = tpu.memref_squeeze %dma_start3A_122 : memref<1x128xi32, #tpu.memory_space<vmem>> -> memref<128xi32, #tpu.memory_space<vmem>>
          %dma_start3A_124 = arith.constant 0 : i32
          %dma_start3A_125 = arith.constant 0 : i32
          %dma_start3A_126 = tpu.memref_slice %arg10[%dma_start3A_124, %dma_start3A_125] : memref<10240x128xf32, #tpu.memory_space<vmem_shared>> -> memref<10240x128xf32, #tpu.memory_space<vmem_shared>>
          tpu.enqueue_indirect_dma source(%arg8 : memref<128x128xf32, #tpu.memory_space<vmem>>) target(%dma_start3A_126 : memref<10240x128xf32, #tpu.memory_space<vmem_shared>>) offsets(%dma_start3A_123 : memref<128xi32, #tpu.memory_space<vmem>>) semaphore(%run_scoped3A : memref<!tpu.dma_semaphore, #tpu.memory_space<semaphore_mem>>) {add = true}
          %dma_wait3A_127 = arith.constant 0 : i32
          %dma_wait3A_128 = tpu.memref_slice %arg7[%add3A_91, %dma_wait3A_127] : memref<48x128xi32, #tpu.memory_space<vmem>> -> memref<1x128xi32, #tpu.memory_space<vmem>>
          %dma_wait3A_129 = tpu.memref_squeeze %dma_wait3A_128 : memref<1x128xi32, #tpu.memory_space<vmem>> -> memref<128xi32, #tpu.memory_space<vmem>>
          %dma_wait3A_130 = arith.constant 0 : i32
          %dma_wait3A_131 = arith.constant 0 : i32
          %dma_wait3A_132 = tpu.memref_slice %arg10[%dma_wait3A_130, %dma_wait3A_131] : memref<10240x128xf32, #tpu.memory_space<vmem_shared>> -> memref<10240x128xf32, #tpu.memory_space<vmem_shared>>
          tpu.wait_indirect_dma semaphore(%run_scoped3A : memref<!tpu.dma_semaphore, #tpu.memory_space<semaphore_mem>>) src(%arg8 : memref<128x128xf32, #tpu.memory_space<vmem>>) dst(%dma_wait3A_132 : memref<10240x128xf32, #tpu.memory_space<vmem_shared>>)
          tpu.yield
        }) : () -> ()
        %mul3A_103 = arith.constant 2 : i32
        %mul3A_104 = arith.muli %mul3A_103, %scan3A_86 : i32
        %add3A_105 = arith.constant 1 : i32
        %add3A_106 = arith.addi %mul3A_104, %add3A_105 : i32
        %dma_wait3A_107 = arith.constant 0 : i32
        %dma_wait3A_108 = tpu.memref_slice %arg6[%add3A_106, %dma_wait3A_107] : memref<48x128xi32, #tpu.memory_space<vmem>> -> memref<1x128xi32, #tpu.memory_space<vmem>>
        %dma_wait3A_109 = tpu.memref_squeeze %dma_wait3A_108 : memref<1x128xi32, #tpu.memory_space<vmem>> -> memref<128xi32, #tpu.memory_space<vmem>>
        %dma_wait3A_110 = arith.constant 0 : i32
        %dma_wait3A_111 = arith.constant 0 : i32
        %dma_wait3A_112 = tpu.memref_slice %arg2[%dma_wait3A_110, %dma_wait3A_111] : memref<10240x128xf32, #tpu.memory_space<hbm>> -> memref<10240x128xf32, #tpu.memory_space<hbm>>
        tpu.wait_indirect_dma semaphore(%arg12 : memref<!tpu.dma_semaphore, #tpu.memory_space<semaphore_mem>>) src(%dma_wait3A_112 : memref<10240x128xf32, #tpu.memory_space<hbm>>) dst(%arg9 : memref<128x128xf32, #tpu.memory_space<vmem>>)
        %add3A_113 = arith.constant 1 : i32
        %add3A_114 = arith.addi %add3A_106, %add3A_113 : i32
        %lt3A_115 = arith.constant 48 : i32
        %lt3A_116 = arith.cmpi slt, %add3A_114, %lt3A_115 : i32
        %convert_element_type3A_117 = arith.extui %lt3A_116 : i1 to i32
        %cond3A_118 = arith.constant 0 : i32
        %cond3A_119 = arith.cmpi ne, %convert_element_type3A_117, %cond3A_118 : i32
        scf.if %cond3A_119 {
          %add3A_121 = arith.constant 1 : i32
          %add3A_122 = arith.addi %add3A_106, %add3A_121 : i32
          %dma_start3A_123 = arith.constant 0 : i32
          %dma_start3A_124 = tpu.memref_slice %arg6[%add3A_122, %dma_start3A_123] : memref<48x128xi32, #tpu.memory_space<vmem>> -> memref<1x128xi32, #tpu.memory_space<vmem>>
          %dma_start3A_125 = tpu.memref_squeeze %dma_start3A_124 : memref<1x128xi32, #tpu.memory_space<vmem>> -> memref<128xi32, #tpu.memory_space<vmem>>
          %dma_start3A_126 = arith.constant 0 : i32
          %dma_start3A_127 = arith.constant 0 : i32
          %dma_start3A_128 = tpu.memref_slice %arg2[%dma_start3A_126, %dma_start3A_127] : memref<10240x128xf32, #tpu.memory_space<hbm>> -> memref<10240x128xf32, #tpu.memory_space<hbm>>
          tpu.enqueue_indirect_dma source(%dma_start3A_128 : memref<10240x128xf32, #tpu.memory_space<hbm>>) target(%arg8 : memref<128x128xf32, #tpu.memory_space<vmem>>) offsets(%dma_start3A_125 : memref<128xi32, #tpu.memory_space<vmem>>) semaphore(%arg11 : memref<!tpu.dma_semaphore, #tpu.memory_space<semaphore_mem>>)
        } else {
        }
        "tpu.region"() ({
          %run_scoped3A = tpu.sem_alloc : memref<!tpu.dma_semaphore, #tpu.memory_space<semaphore_mem>>
          %dma_start3A_121 = arith.constant 0 : i32
          %dma_start3A_122 = tpu.memref_slice %arg7[%add3A_106, %dma_start3A_121] : memref<48x128xi32, #tpu.memory_space<vmem>> -> memref<1x128xi32, #tpu.memory_space<vmem>>
          %dma_start3A_123 = tpu.memref_squeeze %dma_start3A_122 : memref<1x128xi32, #tpu.memory_space<vmem>> -> memref<128xi32, #tpu.memory_space<vmem>>
          %dma_start3A_124 = arith.constant 0 : i32
          %dma_start3A_125 = arith.constant 0 : i32
          %dma_start3A_126 = tpu.memref_slice %arg10[%dma_start3A_124, %dma_start3A_125] : memref<10240x128xf32, #tpu.memory_space<vmem_shared>> -> memref<10240x128xf32, #tpu.memory_space<vmem_shared>>
          tpu.enqueue_indirect_dma source(%arg9 : memref<128x128xf32, #tpu.memory_space<vmem>>) target(%dma_start3A_126 : memref<10240x128xf32, #tpu.memory_space<vmem_shared>>) offsets(%dma_start3A_123 : memref<128xi32, #tpu.memory_space<vmem>>) semaphore(%run_scoped3A : memref<!tpu.dma_semaphore, #tpu.memory_space<semaphore_mem>>) {add = true}
          %dma_wait3A_127 = arith.constant 0 : i32
          %dma_wait3A_128 = tpu.memref_slice %arg7[%add3A_106, %dma_wait3A_127] : memref<48x128xi32, #tpu.memory_space<vmem>> -> memref<1x128xi32, #tpu.memory_space<vmem>>
          %dma_wait3A_129 = tpu.memref_squeeze %dma_wait3A_128 : memref<1x128xi32, #tpu.memory_space<vmem>> -> memref<128xi32, #tpu.memory_space<vmem>>
          %dma_wait3A_130 = arith.constant 0 : i32
          %dma_wait3A_131 = arith.constant 0 : i32
          %dma_wait3A_132 = tpu.memref_slice %arg10[%dma_wait3A_130, %dma_wait3A_131] : memref<10240x128xf32, #tpu.memory_space<vmem_shared>> -> memref<10240x128xf32, #tpu.memory_space<vmem_shared>>
          tpu.wait_indirect_dma semaphore(%run_scoped3A : memref<!tpu.dma_semaphore, #tpu.memory_space<semaphore_mem>>) src(%arg9 : memref<128x128xf32, #tpu.memory_space<vmem>>) dst(%dma_wait3A_132 : memref<10240x128xf32, #tpu.memory_space<vmem_shared>>)
          tpu.yield
        }) : () -> ()
        %scan3A_120 = arith.constant 0 : i32
        scf.yield %scan3A_120 : i32
      }
      %scan3A_85 = arith.constant 24 : i32
    } else {
    }
    %eq3A_27 = arith.constant 1 : i32
    %eq3A_28 = arith.cmpi eq, %arg0, %eq3A_27 : i32
    %convert_element_type3A_29 = arith.extui %eq3A_28 : i1 to i32
    %cond3A_30 = arith.constant 0 : i32
    %cond3A_31 = arith.cmpi ne, %convert_element_type3A_29, %cond3A_30 : i32
    scf.if %cond3A_31 {
      %mul3A_37 = arith.constant 16 : i32
      %mul3A_38 = arith.muli %arg1, %mul3A_37 : i32
      %add3A_39 = arith.constant 2304 : i32
      %add3A_40 = arith.addi %add3A_39, %mul3A_38 : i32
      %add3A_41 = arith.constant 0 : i32
      %add3A_42 = arith.addi %add3A_40, %add3A_41 : i32
      "tpu.region"() ({
        %run_scoped3A = tpu.sem_alloc : memref<!tpu.dma_semaphore, #tpu.memory_space<semaphore_mem>>
        %dma_start3A_56 = arith.constant 0 : i32
        %dma_start3A_57 = arith.constant 0 : i32
        %dma_start3A_58 = tpu.memref_slice %arg6[%dma_start3A_56, %dma_start3A_57] : memref<48x128xi32, #tpu.memory_space<vmem>> -> memref<16x128xi32, #tpu.memory_space<vmem>>
        %dma_start3A_59 = arith.constant 0 : i32
        %dma_start3A_60 = tpu.memref_slice %arg3[%add3A_42, %dma_start3A_59] : memref<2560x128xi32, #tpu.memory_space<hbm>> -> memref<16x128xi32, #tpu.memory_space<hbm>>
        %dma_start3A_61 = arith.constant 0 : i32
        %dma_start3A_62 = arith.constant 0 : i32
        %dma_start3A_63 = tpu.memref_slice %arg6[%dma_start3A_61, %dma_start3A_62] : memref<48x128xi32, #tpu.memory_space<vmem>> -> memref<16x128xi32, #tpu.memory_space<vmem>>
        %dma_start3A_64 = arith.constant 0 : i32
        %dma_start3A_65 = tpu.memref_slice %arg3[%add3A_42, %dma_start3A_64] : memref<2560x128xi32, #tpu.memory_space<hbm>> -> memref<16x128xi32, #tpu.memory_space<hbm>>
        tpu.enqueue_dma source(%dma_start3A_65 : memref<16x128xi32, #tpu.memory_space<hbm>>) target(%dma_start3A_63 : memref<16x128xi32, #tpu.memory_space<vmem>>) target_semaphore(%run_scoped3A : memref<!tpu.dma_semaphore, #tpu.memory_space<semaphore_mem>>)
        %dma_wait3A = arith.constant 0 : i32
        %dma_wait3A_66 = arith.constant 0 : i32
        %dma_wait3A_67 = tpu.memref_slice %arg6[%dma_wait3A, %dma_wait3A_66] : memref<48x128xi32, #tpu.memory_space<vmem>> -> memref<16x128xi32, #tpu.memory_space<vmem>>
        %dma_wait3A_68 = arith.constant 0 : i32
        %dma_wait3A_69 = tpu.memref_slice %arg3[%add3A_42, %dma_wait3A_68] : memref<2560x128xi32, #tpu.memory_space<hbm>> -> memref<16x128xi32, #tpu.memory_space<hbm>>
        %dma_wait3A_70 = arith.constant 0 : i32
        %dma_wait3A_71 = arith.constant 0 : i32
        %dma_wait3A_72 = tpu.memref_slice %arg6[%dma_wait3A_70, %dma_wait3A_71] : memref<48x128xi32, #tpu.memory_space<vmem>> -> memref<16x128xi32, #tpu.memory_space<vmem>>
        %dma_wait3A_73 = arith.constant 0 : i32
        %dma_wait3A_74 = tpu.memref_slice %arg3[%add3A_42, %dma_wait3A_73] : memref<2560x128xi32, #tpu.memory_space<hbm>> -> memref<16x128xi32, #tpu.memory_space<hbm>>
        tpu.wait_dma2 semaphore(%run_scoped3A : memref<!tpu.dma_semaphore, #tpu.memory_space<semaphore_mem>>) src(%dma_wait3A_74 : memref<16x128xi32, #tpu.memory_space<hbm>>) dst(%dma_wait3A_72 : memref<16x128xi32, #tpu.memory_space<vmem>>)
        tpu.yield
      }) : () -> ()
      "tpu.region"() ({
        %run_scoped3A = tpu.sem_alloc : memref<!tpu.dma_semaphore, #tpu.memory_space<semaphore_mem>>
        %dma_start3A_56 = arith.constant 0 : i32
        %dma_start3A_57 = arith.constant 0 : i32
        %dma_start3A_58 = tpu.memref_slice %arg7[%dma_start3A_56, %dma_start3A_57] : memref<48x128xi32, #tpu.memory_space<vmem>> -> memref<16x128xi32, #tpu.memory_space<vmem>>
        %dma_start3A_59 = arith.constant 0 : i32
        %dma_start3A_60 = tpu.memref_slice %arg4[%add3A_42, %dma_start3A_59] : memref<2560x128xi32, #tpu.memory_space<hbm>> -> memref<16x128xi32, #tpu.memory_space<hbm>>
        %dma_start3A_61 = arith.constant 0 : i32
        %dma_start3A_62 = arith.constant 0 : i32
        %dma_start3A_63 = tpu.memref_slice %arg7[%dma_start3A_61, %dma_start3A_62] : memref<48x128xi32, #tpu.memory_space<vmem>> -> memref<16x128xi32, #tpu.memory_space<vmem>>
        %dma_start3A_64 = arith.constant 0 : i32
        %dma_start3A_65 = tpu.memref_slice %arg4[%add3A_42, %dma_start3A_64] : memref<2560x128xi32, #tpu.memory_space<hbm>> -> memref<16x128xi32, #tpu.memory_space<hbm>>
        tpu.enqueue_dma source(%dma_start3A_65 : memref<16x128xi32, #tpu.memory_space<hbm>>) target(%dma_start3A_63 : memref<16x128xi32, #tpu.memory_space<vmem>>) target_semaphore(%run_scoped3A : memref<!tpu.dma_semaphore, #tpu.memory_space<semaphore_mem>>)
        %dma_wait3A = arith.constant 0 : i32
        %dma_wait3A_66 = arith.constant 0 : i32
        %dma_wait3A_67 = tpu.memref_slice %arg7[%dma_wait3A, %dma_wait3A_66] : memref<48x128xi32, #tpu.memory_space<vmem>> -> memref<16x128xi32, #tpu.memory_space<vmem>>
        %dma_wait3A_68 = arith.constant 0 : i32
        %dma_wait3A_69 = tpu.memref_slice %arg4[%add3A_42, %dma_wait3A_68] : memref<2560x128xi32, #tpu.memory_space<hbm>> -> memref<16x128xi32, #tpu.memory_space<hbm>>
        %dma_wait3A_70 = arith.constant 0 : i32
        %dma_wait3A_71 = arith.constant 0 : i32
        %dma_wait3A_72 = tpu.memref_slice %arg7[%dma_wait3A_70, %dma_wait3A_71] : memref<48x128xi32, #tpu.memory_space<vmem>> -> memref<16x128xi32, #tpu.memory_space<vmem>>
        %dma_wait3A_73 = arith.constant 0 : i32
        %dma_wait3A_74 = tpu.memref_slice %arg4[%add3A_42, %dma_wait3A_73] : memref<2560x128xi32, #tpu.memory_space<hbm>> -> memref<16x128xi32, #tpu.memory_space<hbm>>
        tpu.wait_dma2 semaphore(%run_scoped3A : memref<!tpu.dma_semaphore, #tpu.memory_space<semaphore_mem>>) src(%dma_wait3A_74 : memref<16x128xi32, #tpu.memory_space<hbm>>) dst(%dma_wait3A_72 : memref<16x128xi32, #tpu.memory_space<vmem>>)
        tpu.yield
      }) : () -> ()
      %dma_start3A = arith.constant 0 : i32
      %dma_start3A_43 = arith.constant 0 : i32
      %dma_start3A_44 = tpu.memref_slice %arg6[%dma_start3A, %dma_start3A_43] : memref<48x128xi32, #tpu.memory_space<vmem>> -> memref<1x128xi32, #tpu.memory_space<vmem>>
      %dma_start3A_45 = tpu.memref_squeeze %dma_start3A_44 : memref<1x128xi32, #tpu.memory_space<vmem>> -> memref<128xi32, #tpu.memory_space<vmem>>
      %dma_start3A_46 = arith.constant 0 : i32
      %dma_start3A_47 = arith.constant 0 : i32
      %dma_start3A_48 = tpu.memref_slice %arg2[%dma_start3A_46, %dma_start3A_47] : memref<10240x128xf32, #tpu.memory_space<hbm>> -> memref<10240x128xf32, #tpu.memory_space<hbm>>
      tpu.enqueue_indirect_dma source(%dma_start3A_48 : memref<10240x128xf32, #tpu.memory_space<hbm>>) target(%arg8 : memref<128x128xf32, #tpu.memory_space<vmem>>) offsets(%dma_start3A_45 : memref<128xi32, #tpu.memory_space<vmem>>) semaphore(%arg11 : memref<!tpu.dma_semaphore, #tpu.memory_space<semaphore_mem>>)
      %scan3A_49 = arith.constant 0 : i32
      %scan3A_50 = arith.constant 0 : i32
      %scan3A_51 = arith.constant 8 : i32
      %scan3A_52 = arith.addi %scan3A_50, %scan3A_51 : i32
      %scan3A_53 = arith.constant 1 : i32
      %scan3A_54 = scf.for %scan3A_56 = %scan3A_50 to %scan3A_52 step %scan3A_53 iter_args(%scan3A_57 = %scan3A_49) -> (i32)  : i32 {
        %mul3A_58 = arith.constant 2 : i32
        %mul3A_59 = arith.muli %mul3A_58, %scan3A_56 : i32
        %add3A_60 = arith.constant 0 : i32
        %add3A_61 = arith.addi %mul3A_59, %add3A_60 : i32
        %dma_wait3A = arith.constant 0 : i32
        %dma_wait3A_62 = tpu.memref_slice %arg6[%add3A_61, %dma_wait3A] : memref<48x128xi32, #tpu.memory_space<vmem>> -> memref<1x128xi32, #tpu.memory_space<vmem>>
        %dma_wait3A_63 = tpu.memref_squeeze %dma_wait3A_62 : memref<1x128xi32, #tpu.memory_space<vmem>> -> memref<128xi32, #tpu.memory_space<vmem>>
        %dma_wait3A_64 = arith.constant 0 : i32
        %dma_wait3A_65 = arith.constant 0 : i32
        %dma_wait3A_66 = tpu.memref_slice %arg2[%dma_wait3A_64, %dma_wait3A_65] : memref<10240x128xf32, #tpu.memory_space<hbm>> -> memref<10240x128xf32, #tpu.memory_space<hbm>>
        tpu.wait_indirect_dma semaphore(%arg11 : memref<!tpu.dma_semaphore, #tpu.memory_space<semaphore_mem>>) src(%dma_wait3A_66 : memref<10240x128xf32, #tpu.memory_space<hbm>>) dst(%arg8 : memref<128x128xf32, #tpu.memory_space<vmem>>)
        %add3A_67 = arith.constant 1 : i32
        %add3A_68 = arith.addi %add3A_61, %add3A_67 : i32
        %lt3A = arith.constant 16 : i32
        %lt3A_69 = arith.cmpi slt, %add3A_68, %lt3A : i32
        %convert_element_type3A_70 = arith.extui %lt3A_69 : i1 to i32
        %cond3A_71 = arith.constant 0 : i32
        %cond3A_72 = arith.cmpi ne, %convert_element_type3A_70, %cond3A_71 : i32
        scf.if %cond3A_72 {
          %add3A_91 = arith.constant 1 : i32
          %add3A_92 = arith.addi %add3A_61, %add3A_91 : i32
          %dma_start3A_93 = arith.constant 0 : i32
          %dma_start3A_94 = tpu.memref_slice %arg6[%add3A_92, %dma_start3A_93] : memref<48x128xi32, #tpu.memory_space<vmem>> -> memref<1x128xi32, #tpu.memory_space<vmem>>
          %dma_start3A_95 = tpu.memref_squeeze %dma_start3A_94 : memref<1x128xi32, #tpu.memory_space<vmem>> -> memref<128xi32, #tpu.memory_space<vmem>>
          %dma_start3A_96 = arith.constant 0 : i32
          %dma_start3A_97 = arith.constant 0 : i32
          %dma_start3A_98 = tpu.memref_slice %arg2[%dma_start3A_96, %dma_start3A_97] : memref<10240x128xf32, #tpu.memory_space<hbm>> -> memref<10240x128xf32, #tpu.memory_space<hbm>>
          tpu.enqueue_indirect_dma source(%dma_start3A_98 : memref<10240x128xf32, #tpu.memory_space<hbm>>) target(%arg9 : memref<128x128xf32, #tpu.memory_space<vmem>>) offsets(%dma_start3A_95 : memref<128xi32, #tpu.memory_space<vmem>>) semaphore(%arg12 : memref<!tpu.dma_semaphore, #tpu.memory_space<semaphore_mem>>)
        } else {
        }
        "tpu.region"() ({
          %run_scoped3A = tpu.sem_alloc : memref<!tpu.dma_semaphore, #tpu.memory_space<semaphore_mem>>
          %dma_start3A_91 = arith.constant 0 : i32
          %dma_start3A_92 = tpu.memref_slice %arg7[%add3A_61, %dma_start3A_91] : memref<48x128xi32, #tpu.memory_space<vmem>> -> memref<1x128xi32, #tpu.memory_space<vmem>>
          %dma_start3A_93 = tpu.memref_squeeze %dma_start3A_92 : memref<1x128xi32, #tpu.memory_space<vmem>> -> memref<128xi32, #tpu.memory_space<vmem>>
          %dma_start3A_94 = arith.constant 0 : i32
          %dma_start3A_95 = arith.constant 0 : i32
          %dma_start3A_96 = tpu.memref_slice %arg10[%dma_start3A_94, %dma_start3A_95] : memref<10240x128xf32, #tpu.memory_space<vmem_shared>> -> memref<10240x128xf32, #tpu.memory_space<vmem_shared>>
          tpu.enqueue_indirect_dma source(%arg8 : memref<128x128xf32, #tpu.memory_space<vmem>>) target(%dma_start3A_96 : memref<10240x128xf32, #tpu.memory_space<vmem_shared>>) offsets(%dma_start3A_93 : memref<128xi32, #tpu.memory_space<vmem>>) semaphore(%run_scoped3A : memref<!tpu.dma_semaphore, #tpu.memory_space<semaphore_mem>>) {add = true}
          %dma_wait3A_97 = arith.constant 0 : i32
          %dma_wait3A_98 = tpu.memref_slice %arg7[%add3A_61, %dma_wait3A_97] : memref<48x128xi32, #tpu.memory_space<vmem>> -> memref<1x128xi32, #tpu.memory_space<vmem>>
          %dma_wait3A_99 = tpu.memref_squeeze %dma_wait3A_98 : memref<1x128xi32, #tpu.memory_space<vmem>> -> memref<128xi32, #tpu.memory_space<vmem>>
          %dma_wait3A_100 = arith.constant 0 : i32
          %dma_wait3A_101 = arith.constant 0 : i32
          %dma_wait3A_102 = tpu.memref_slice %arg10[%dma_wait3A_100, %dma_wait3A_101] : memref<10240x128xf32, #tpu.memory_space<vmem_shared>> -> memref<10240x128xf32, #tpu.memory_space<vmem_shared>>
          tpu.wait_indirect_dma semaphore(%run_scoped3A : memref<!tpu.dma_semaphore, #tpu.memory_space<semaphore_mem>>) src(%arg8 : memref<128x128xf32, #tpu.memory_space<vmem>>) dst(%dma_wait3A_102 : memref<10240x128xf32, #tpu.memory_space<vmem_shared>>)
          tpu.yield
        }) : () -> ()
        %mul3A_73 = arith.constant 2 : i32
        %mul3A_74 = arith.muli %mul3A_73, %scan3A_56 : i32
        %add3A_75 = arith.constant 1 : i32
        %add3A_76 = arith.addi %mul3A_74, %add3A_75 : i32
        %dma_wait3A_77 = arith.constant 0 : i32
        %dma_wait3A_78 = tpu.memref_slice %arg6[%add3A_76, %dma_wait3A_77] : memref<48x128xi32, #tpu.memory_space<vmem>> -> memref<1x128xi32, #tpu.memory_space<vmem>>
        %dma_wait3A_79 = tpu.memref_squeeze %dma_wait3A_78 : memref<1x128xi32, #tpu.memory_space<vmem>> -> memref<128xi32, #tpu.memory_space<vmem>>
        %dma_wait3A_80 = arith.constant 0 : i32
        %dma_wait3A_81 = arith.constant 0 : i32
        %dma_wait3A_82 = tpu.memref_slice %arg2[%dma_wait3A_80, %dma_wait3A_81] : memref<10240x128xf32, #tpu.memory_space<hbm>> -> memref<10240x128xf32, #tpu.memory_space<hbm>>
        tpu.wait_indirect_dma semaphore(%arg12 : memref<!tpu.dma_semaphore, #tpu.memory_space<semaphore_mem>>) src(%dma_wait3A_82 : memref<10240x128xf32, #tpu.memory_space<hbm>>) dst(%arg9 : memref<128x128xf32, #tpu.memory_space<vmem>>)
        %add3A_83 = arith.constant 1 : i32
        %add3A_84 = arith.addi %add3A_76, %add3A_83 : i32
        %lt3A_85 = arith.constant 16 : i32
        %lt3A_86 = arith.cmpi slt, %add3A_84, %lt3A_85 : i32
        %convert_element_type3A_87 = arith.extui %lt3A_86 : i1 to i32
        %cond3A_88 = arith.constant 0 : i32
        %cond3A_89 = arith.cmpi ne, %convert_element_type3A_87, %cond3A_88 : i32
        scf.if %cond3A_89 {
          %add3A_91 = arith.constant 1 : i32
          %add3A_92 = arith.addi %add3A_76, %add3A_91 : i32
          %dma_start3A_93 = arith.constant 0 : i32
          %dma_start3A_94 = tpu.memref_slice %arg6[%add3A_92, %dma_start3A_93] : memref<48x128xi32, #tpu.memory_space<vmem>> -> memref<1x128xi32, #tpu.memory_space<vmem>>
          %dma_start3A_95 = tpu.memref_squeeze %dma_start3A_94 : memref<1x128xi32, #tpu.memory_space<vmem>> -> memref<128xi32, #tpu.memory_space<vmem>>
          %dma_start3A_96 = arith.constant 0 : i32
          %dma_start3A_97 = arith.constant 0 : i32
          %dma_start3A_98 = tpu.memref_slice %arg2[%dma_start3A_96, %dma_start3A_97] : memref<10240x128xf32, #tpu.memory_space<hbm>> -> memref<10240x128xf32, #tpu.memory_space<hbm>>
          tpu.enqueue_indirect_dma source(%dma_start3A_98 : memref<10240x128xf32, #tpu.memory_space<hbm>>) target(%arg8 : memref<128x128xf32, #tpu.memory_space<vmem>>) offsets(%dma_start3A_95 : memref<128xi32, #tpu.memory_space<vmem>>) semaphore(%arg11 : memref<!tpu.dma_semaphore, #tpu.memory_space<semaphore_mem>>)
        } else {
        }
        "tpu.region"() ({
          %run_scoped3A = tpu.sem_alloc : memref<!tpu.dma_semaphore, #tpu.memory_space<semaphore_mem>>
          %dma_start3A_91 = arith.constant 0 : i32
          %dma_start3A_92 = tpu.memref_slice %arg7[%add3A_76, %dma_start3A_91] : memref<48x128xi32, #tpu.memory_space<vmem>> -> memref<1x128xi32, #tpu.memory_space<vmem>>
          %dma_start3A_93 = tpu.memref_squeeze %dma_start3A_92 : memref<1x128xi32, #tpu.memory_space<vmem>> -> memref<128xi32, #tpu.memory_space<vmem>>
          %dma_start3A_94 = arith.constant 0 : i32
          %dma_start3A_95 = arith.constant 0 : i32
          %dma_start3A_96 = tpu.memref_slice %arg10[%dma_start3A_94, %dma_start3A_95] : memref<10240x128xf32, #tpu.memory_space<vmem_shared>> -> memref<10240x128xf32, #tpu.memory_space<vmem_shared>>
          tpu.enqueue_indirect_dma source(%arg9 : memref<128x128xf32, #tpu.memory_space<vmem>>) target(%dma_start3A_96 : memref<10240x128xf32, #tpu.memory_space<vmem_shared>>) offsets(%dma_start3A_93 : memref<128xi32, #tpu.memory_space<vmem>>) semaphore(%run_scoped3A : memref<!tpu.dma_semaphore, #tpu.memory_space<semaphore_mem>>) {add = true}
          %dma_wait3A_97 = arith.constant 0 : i32
          %dma_wait3A_98 = tpu.memref_slice %arg7[%add3A_76, %dma_wait3A_97] : memref<48x128xi32, #tpu.memory_space<vmem>> -> memref<1x128xi32, #tpu.memory_space<vmem>>
          %dma_wait3A_99 = tpu.memref_squeeze %dma_wait3A_98 : memref<1x128xi32, #tpu.memory_space<vmem>> -> memref<128xi32, #tpu.memory_space<vmem>>
          %dma_wait3A_100 = arith.constant 0 : i32
          %dma_wait3A_101 = arith.constant 0 : i32
          %dma_wait3A_102 = tpu.memref_slice %arg10[%dma_wait3A_100, %dma_wait3A_101] : memref<10240x128xf32, #tpu.memory_space<vmem_shared>> -> memref<10240x128xf32, #tpu.memory_space<vmem_shared>>
          tpu.wait_indirect_dma semaphore(%run_scoped3A : memref<!tpu.dma_semaphore, #tpu.memory_space<semaphore_mem>>) src(%arg9 : memref<128x128xf32, #tpu.memory_space<vmem>>) dst(%dma_wait3A_102 : memref<10240x128xf32, #tpu.memory_space<vmem_shared>>)
          tpu.yield
        }) : () -> ()
        %scan3A_90 = arith.constant 0 : i32
        scf.yield %scan3A_90 : i32
      }
      %scan3A_55 = arith.constant 8 : i32
    } else {
    }
    %barrier3A_32 = arith.constant 0 : index
    tpu.barrier barrier_id(%barrier3A_32)
    %mul3A_33 = arith.constant 640 : i32
    %mul3A_34 = arith.muli %arg1, %mul3A_33 : i32
    %mul3A_35 = arith.constant 640 : i32
    %mul3A_36 = arith.muli %arg1, %mul3A_35 : i32
    "tpu.region"() ({
      %run_scoped3A = tpu.sem_alloc : memref<!tpu.dma_semaphore, #tpu.memory_space<semaphore_mem>>
      %dma_start3A = arith.constant 0 : i32
      %dma_start3A_37 = tpu.memref_slice %arg5[%arg0, %mul3A_36, %dma_start3A] : memref<2x10240x128xf32, #tpu.memory_space<hbm>> -> memref<1x640x128xf32, #tpu.memory_space<hbm>>
      %dma_start3A_38 = tpu.memref_squeeze %dma_start3A_37 : memref<1x640x128xf32, #tpu.memory_space<hbm>> -> memref<640x128xf32, #tpu.memory_space<hbm>>
      %dma_start3A_39 = arith.constant 0 : i32
      %dma_start3A_40 = tpu.memref_slice %arg10[%mul3A_34, %dma_start3A_39] : memref<10240x128xf32, #tpu.memory_space<vmem_shared>> -> memref<640x128xf32, #tpu.memory_space<vmem_shared>>
      tpu.enqueue_dma source(%dma_start3A_40 : memref<640x128xf32, #tpu.memory_space<vmem_shared>>) target(%dma_start3A_38 : memref<640x128xf32, #tpu.memory_space<hbm>>) target_semaphore(%run_scoped3A : memref<!tpu.dma_semaphore, #tpu.memory_space<semaphore_mem>>)
      %dma_wait3A = arith.constant 0 : i32
      %dma_wait3A_41 = tpu.memref_slice %arg5[%arg0, %mul3A_36, %dma_wait3A] : memref<2x10240x128xf32, #tpu.memory_space<hbm>> -> memref<1x640x128xf32, #tpu.memory_space<hbm>>
      %dma_wait3A_42 = tpu.memref_squeeze %dma_wait3A_41 : memref<1x640x128xf32, #tpu.memory_space<hbm>> -> memref<640x128xf32, #tpu.memory_space<hbm>>
      %dma_wait3A_43 = arith.constant 0 : i32
      %dma_wait3A_44 = tpu.memref_slice %arg10[%mul3A_34, %dma_wait3A_43] : memref<10240x128xf32, #tpu.memory_space<vmem_shared>> -> memref<640x128xf32, #tpu.memory_space<vmem_shared>>
      tpu.wait_dma2 semaphore(%run_scoped3A : memref<!tpu.dma_semaphore, #tpu.memory_space<semaphore_mem>>) src(%dma_wait3A_44 : memref<640x128xf32, #tpu.memory_space<vmem_shared>>) dst(%dma_wait3A_42 : memref<640x128xf32, #tpu.memory_space<hbm>>)
      tpu.yield
    }) : () -> ()
    return
  }
}

#map = affine_map<(d0, d1) -> (0, 0)>
module attributes {stable_mosaic.version = 14 : i64} {
  func.func @_deg_kernel(%arg0: i32, %arg1: i32, %arg2: memref<32x10240xi32, #tpu.memory_space<hbm>>, %arg3: memref<32x10240xf32, #tpu.memory_space<hbm>>, %arg4: memref<10240xi32, #tpu.memory_space<vmem>>, %arg5: memref<10240xf32, #tpu.memory_space<vmem>>) attributes {dimension_semantics = [#tpu.dimension_semantics<core_parallel>, #tpu.dimension_semantics<subcore_parallel>], iteration_bounds = array<i64: 2, 16>, scalar_prefetch = 0 : i64, scratch_operands = 2 : i64, tpu.core_type = #tpu.core_type<sc_vector_subcore>, window_params = [{transform_indices = #map}, {transform_indices = #map}]} {
    %mul3A = arith.constant 2 : i32
    %mul3A_0 = arith.muli %arg1, %mul3A : i32
    %add3A = arith.addi %mul3A_0, %arg0 : i32
    "tpu.region"() ({
      %run_scoped3A = tpu.sem_alloc : memref<!tpu.dma_semaphore, #tpu.memory_space<semaphore_mem>>
      %dma_start3A = arith.constant 0 : i32
      %dma_start3A_17 = tpu.memref_slice %arg2[%add3A, %dma_start3A] : memref<32x10240xi32, #tpu.memory_space<hbm>> -> memref<1x10240xi32, #tpu.memory_space<hbm>>
      %dma_start3A_18 = tpu.memref_squeeze %dma_start3A_17 : memref<1x10240xi32, #tpu.memory_space<hbm>> -> memref<10240xi32, #tpu.memory_space<hbm>>
      %dma_start3A_19 = arith.constant 0 : i32
      %dma_start3A_20 = tpu.memref_slice %arg2[%add3A, %dma_start3A_19] : memref<32x10240xi32, #tpu.memory_space<hbm>> -> memref<1x10240xi32, #tpu.memory_space<hbm>>
      %dma_start3A_21 = tpu.memref_squeeze %dma_start3A_20 : memref<1x10240xi32, #tpu.memory_space<hbm>> -> memref<10240xi32, #tpu.memory_space<hbm>>
      tpu.enqueue_dma source(%dma_start3A_21 : memref<10240xi32, #tpu.memory_space<hbm>>) target(%arg4 : memref<10240xi32, #tpu.memory_space<vmem>>) target_semaphore(%run_scoped3A : memref<!tpu.dma_semaphore, #tpu.memory_space<semaphore_mem>>)
      %dma_wait3A = arith.constant 0 : i32
      %dma_wait3A_22 = tpu.memref_slice %arg2[%add3A, %dma_wait3A] : memref<32x10240xi32, #tpu.memory_space<hbm>> -> memref<1x10240xi32, #tpu.memory_space<hbm>>
      %dma_wait3A_23 = tpu.memref_squeeze %dma_wait3A_22 : memref<1x10240xi32, #tpu.memory_space<hbm>> -> memref<10240xi32, #tpu.memory_space<hbm>>
      %dma_wait3A_24 = arith.constant 0 : i32
      %dma_wait3A_25 = tpu.memref_slice %arg2[%add3A, %dma_wait3A_24] : memref<32x10240xi32, #tpu.memory_space<hbm>> -> memref<1x10240xi32, #tpu.memory_space<hbm>>
      %dma_wait3A_26 = tpu.memref_squeeze %dma_wait3A_25 : memref<1x10240xi32, #tpu.memory_space<hbm>> -> memref<10240xi32, #tpu.memory_space<hbm>>
      tpu.wait_dma2 semaphore(%run_scoped3A : memref<!tpu.dma_semaphore, #tpu.memory_space<semaphore_mem>>) src(%dma_wait3A_26 : memref<10240xi32, #tpu.memory_space<hbm>>) dst(%arg4 : memref<10240xi32, #tpu.memory_space<vmem>>)
      tpu.yield
    }) : () -> ()
    %broadcast_in_dim3A = arith.constant 0.000000e+00 : f32
    %broadcast_in_dim3A_1 = vector.broadcast %broadcast_in_dim3A : f32 to vector<16xf32>
    %scan3A = arith.constant 0 : i32
    %scan3A_2 = arith.constant 0 : i32
    %scan3A_3 = arith.constant 640 : i32
    %scan3A_4 = arith.addi %scan3A_2, %scan3A_3 : i32
    %scan3A_5 = arith.constant 1 : i32
    %scan3A_6 = scf.for %scan3A_17 = %scan3A_2 to %scan3A_4 step %scan3A_5 iter_args(%scan3A_18 = %scan3A) -> (i32)  : i32 {
      %mul3A_19 = arith.constant 16 : i32
      %mul3A_20 = arith.muli %scan3A_17, %mul3A_19 : i32
      %swap3A = arith.index_cast %mul3A_20 : i32 to index
      %swap3A_21 = tpu.vector_load %arg5[%swap3A] {strides = array<i32>} : memref<10240xf32, #tpu.memory_space<vmem>>, vector<16xf32>,
      tpu.vector_store %arg5[%swap3A], %broadcast_in_dim3A_1 {strides = array<i32>} : memref<10240xf32, #tpu.memory_space<vmem>>, vector<16xf32>,
      %scan3A_22 = arith.constant 0 : i32
      scf.yield %scan3A_22 : i32
    }
    %scan3A_7 = arith.constant 640 : i32
    %broadcast_in_dim3A_8 = arith.constant 1.000000e+00 : f32
    %broadcast_in_dim3A_9 = vector.broadcast %broadcast_in_dim3A_8 : f32 to vector<16xf32>
    %scan3A_10 = arith.constant 0 : i32
    %scan3A_11 = arith.constant 0 : i32
    %scan3A_12 = arith.constant 640 : i32
    %scan3A_13 = arith.addi %scan3A_11, %scan3A_12 : i32
    %scan3A_14 = arith.constant 1 : i32
    %scan3A_15 = scf.for %scan3A_17 = %scan3A_11 to %scan3A_13 step %scan3A_14 iter_args(%scan3A_18 = %scan3A_10) -> (i32)  : i32 {
      %mul3A_19 = arith.constant 16 : i32
      %mul3A_20 = arith.muli %scan3A_17, %mul3A_19 : i32
      %get3A = arith.index_cast %mul3A_20 : i32 to index
      %get3A_21 = tpu.vector_load %arg4[%get3A] {strides = array<i32>} : memref<10240xi32, #tpu.memory_space<vmem>>, vector<16xi32>,
      tpu.vector_store_idx %arg5[%get3A_21], %broadcast_in_dim3A_9 {add = true} : memref<10240xf32, #tpu.memory_space<vmem>>[vector<16xi32>], vector<16xf32>,
      %scan3A_22 = arith.constant 0 : i32
      scf.yield %scan3A_22 : i32
    }
    %scan3A_16 = arith.constant 640 : i32
    "tpu.region"() ({
      %run_scoped3A = tpu.sem_alloc : memref<!tpu.dma_semaphore, #tpu.memory_space<semaphore_mem>>
      %dma_start3A = arith.constant 0 : i32
      %dma_start3A_17 = tpu.memref_slice %arg3[%add3A, %dma_start3A] : memref<32x10240xf32, #tpu.memory_space<hbm>> -> memref<1x10240xf32, #tpu.memory_space<hbm>>
      %dma_start3A_18 = tpu.memref_squeeze %dma_start3A_17 : memref<1x10240xf32, #tpu.memory_space<hbm>> -> memref<10240xf32, #tpu.memory_space<hbm>>
      %dma_start3A_19 = arith.constant 0 : i32
      %dma_start3A_20 = tpu.memref_slice %arg3[%add3A, %dma_start3A_19] : memref<32x10240xf32, #tpu.memory_space<hbm>> -> memref<1x10240xf32, #tpu.memory_space<hbm>>
      %dma_start3A_21 = tpu.memref_squeeze %dma_start3A_20 : memref<1x10240xf32, #tpu.memory_space<hbm>> -> memref<10240xf32, #tpu.memory_space<hbm>>
      tpu.enqueue_dma source(%arg5 : memref<10240xf32, #tpu.memory_space<vmem>>) target(%dma_start3A_21 : memref<10240xf32, #tpu.memory_space<hbm>>) target_semaphore(%run_scoped3A : memref<!tpu.dma_semaphore, #tpu.memory_space<semaphore_mem>>)
      %dma_wait3A = arith.constant 0 : i32
      %dma_wait3A_22 = tpu.memref_slice %arg3[%add3A, %dma_wait3A] : memref<32x10240xf32, #tpu.memory_space<hbm>> -> memref<1x10240xf32, #tpu.memory_space<hbm>>
      %dma_wait3A_23 = tpu.memref_squeeze %dma_wait3A_22 : memref<1x10240xf32, #tpu.memory_space<hbm>> -> memref<10240xf32, #tpu.memory_space<hbm>>
      %dma_wait3A_24 = arith.constant 0 : i32
      %dma_wait3A_25 = tpu.memref_slice %arg3[%add3A, %dma_wait3A_24] : memref<32x10240xf32, #tpu.memory_space<hbm>> -> memref<1x10240xf32, #tpu.memory_space<hbm>>
      %dma_wait3A_26 = tpu.memref_squeeze %dma_wait3A_25 : memref<1x10240xf32, #tpu.memory_space<hbm>> -> memref<10240xf32, #tpu.memory_space<hbm>>
      tpu.wait_dma2 semaphore(%run_scoped3A : memref<!tpu.dma_semaphore, #tpu.memory_space<semaphore_mem>>) src(%arg5 : memref<10240xf32, #tpu.memory_space<vmem>>) dst(%dma_wait3A_26 : memref<10240xf32, #tpu.memory_space<hbm>>)
      tpu.yield
    }) : () -> ()
    return
  }
}

module attributes {stable_mosaic.version = 14 : i64} {
  func.func @_dis_body(%arg0: memref<32x10240xf32, #tpu.memory_space<vmem>>, %arg1: memref<10240xf32, #tpu.memory_space<vmem>>) attributes {dimension_semantics = [], scalar_prefetch = 0 : i64, scratch_operands = 0 : i64, tpu.core_type = #tpu.core_type<tc>} {
    %get3A = arith.constant 0 : index
    %get3A_0 = arith.constant 0 : index
    %get3A_1 = vector.load %arg0[%get3A, %get3A_0] : memref<32x10240xf32, #tpu.memory_space<vmem>>, vector<32x10240xf32>
    %reduce_sum3A = arith.constant dense<0.000000e+00> : vector<10240xf32>
    %reduce_sum3A_2 = vector.multi_reduction <add>, %get3A_1, %reduce_sum3A [0] : vector<32x10240xf32> to vector<10240xf32>
    %add3A = arith.constant 1.000000e+00 : f32
    %add3A_3 = vector.broadcast %add3A : f32 to vector<10240xf32>
    %add3A_4 = arith.addf %reduce_sum3A_2, %add3A_3 : vector<10240xf32>
    %rsqrt3A = math.rsqrt %add3A_4 : vector<10240xf32>
    %swap3A = arith.constant 0 : index
    %swap3A_5 = vector.load %arg1[%swap3A] : memref<10240xf32, #tpu.memory_space<vmem>>, vector<10240xf32>
    tpu.vector_store %arg1[%swap3A], %rsqrt3A {strides = array<i32>} : memref<10240xf32, #tpu.memory_space<vmem>>, vector<10240xf32>,
    return
  }
}

module attributes {stable_mosaic.version = 14 : i64} {
  func.func @_scale_body(%arg0: i32, %arg1: memref<1280x128xf32, #tpu.memory_space<vmem>>, %arg2: memref<1280x1xf32, #tpu.memory_space<vmem>>, %arg3: memref<1280x128xf32, #tpu.memory_space<vmem>>) attributes {dimension_semantics = [#tpu.dimension_semantics<arbitrary>], iteration_bounds = array<i64: 8>, scalar_prefetch = 0 : i64, scratch_operands = 0 : i64, tpu.core_type = #tpu.core_type<tc>, window_params = [{transform_indices = @transform_0, window_bounds = array<i64: 1280, 128>}, {transform_indices = @transform_1, window_bounds = array<i64: 1280, 1>}, {transform_indices = @transform_2, window_bounds = array<i64: 1280, 128>}]} {
    %get3A = arith.constant 0 : index
    %get3A_0 = arith.constant 0 : index
    %get3A_1 = vector.load %arg1[%get3A, %get3A_0] : memref<1280x128xf32, #tpu.memory_space<vmem>>, vector<1280x128xf32>
    %get3A_2 = arith.constant 0 : index
    %get3A_3 = arith.constant 0 : index
    %get3A_4 = vector.load %arg2[%get3A_2, %get3A_3] : memref<1280x1xf32, #tpu.memory_space<vmem>>, vector<1280x1xf32>
    %mul3A = vector.broadcast %get3A_4 : vector<1280x1xf32> to vector<1280x128xf32>
    %mul3A_5 = arith.mulf %get3A_1, %mul3A : vector<1280x128xf32>
    %swap3A = arith.constant 0 : index
    %swap3A_6 = arith.constant 0 : index
    %swap3A_7 = vector.load %arg3[%swap3A, %swap3A_6] : memref<1280x128xf32, #tpu.memory_space<vmem>>, vector<1280x128xf32>
    tpu.vector_store %arg3[%swap3A, %swap3A_6], %mul3A_5 {strides = array<i32>} : memref<1280x128xf32, #tpu.memory_space<vmem>>, vector<1280x128xf32>,
    return
  }
  func.func @transform_0(%arg0: i32) -> (i32, i32) {
    %c0_i32 = arith.constant 0 : i32
    %c0_i32_0 = arith.constant 0 : i32
    return %arg0, %c0_i32 : i32, i32
  }
  func.func @transform_1(%arg0: i32) -> (i32, i32) {
    %c0_i32 = arith.constant 0 : i32
    %c0_i32_0 = arith.constant 0 : i32
    return %arg0, %c0_i32 : i32, i32
  }
  func.func @transform_2(%arg0: i32) -> (i32, i32) {
    %c0_i32 = arith.constant 0 : i32
    %c0_i32_0 = arith.constant 0 : i32
    return %arg0, %c0_i32 : i32, i32
  }
}

module attributes {stable_mosaic.version = 14 : i64} {
  func.func @_mm_body(%arg0: i32, %arg1: memref<2x1280x128xf32, #tpu.memory_space<vmem>>, %arg2: memref<1280x128xf32, #tpu.memory_space<vmem>>, %arg3: memref<1280x1xf32, #tpu.memory_space<vmem>>, %arg4: memref<128x128xf32, #tpu.memory_space<vmem>>, %arg5: memref<1x128xf32, #tpu.memory_space<vmem>>, %arg6: memref<1280x128xf32, #tpu.memory_space<vmem>>, %arg7: memref<1x2x128xf32, #tpu.memory_space<vmem>>) attributes {dimension_semantics = [#tpu.dimension_semantics<arbitrary>], iteration_bounds = array<i64: 8>, scalar_prefetch = 0 : i64, scratch_operands = 0 : i64, tpu.core_type = #tpu.core_type<tc>, window_params = [{transform_indices = @transform_0, window_bounds = array<i64: 2, 1280, 128>}, {transform_indices = @transform_1, window_bounds = array<i64: 1280, 128>}, {transform_indices = @transform_2, window_bounds = array<i64: 1280, 1>}, {pipeline_mode = #tpu.pipeline_mode<synchronous>, transform_indices = @transform_3, window_bounds = array<i64: 128, 128>}, {pipeline_mode = #tpu.pipeline_mode<synchronous>, transform_indices = @transform_4, window_bounds = array<i64: 1, 128>}, {transform_indices = @transform_5, window_bounds = array<i64: 1280, 128>}, {transform_indices = @transform_6, window_bounds = array<i64: 1, 2, 128>}]} {
    %get3A = arith.constant 0 : index
    %get3A_0 = arith.constant 0 : index
    %get3A_1 = arith.constant 0 : index
    %get3A_2 = vector.load %arg1[%get3A, %get3A_0, %get3A_1] : memref<2x1280x128xf32, #tpu.memory_space<vmem>>, vector<1x1280x128xf32>
    %get3A_3 = vector.shape_cast %get3A_2 : vector<1x1280x128xf32> to vector<1280x128xf32>
    %get3A_4 = arith.constant 1 : index
    %get3A_5 = arith.constant 0 : index
    %get3A_6 = arith.constant 0 : index
    %get3A_7 = vector.load %arg1[%get3A_4, %get3A_5, %get3A_6] : memref<2x1280x128xf32, #tpu.memory_space<vmem>>, vector<1x1280x128xf32>
    %get3A_8 = vector.shape_cast %get3A_7 : vector<1x1280x128xf32> to vector<1280x128xf32>
    %add3A = arith.addf %get3A_3, %get3A_8 : vector<1280x128xf32>
    %get3A_9 = arith.constant 0 : index
    %get3A_10 = arith.constant 0 : index
    %get3A_11 = vector.load %arg2[%get3A_9, %get3A_10] : memref<1280x128xf32, #tpu.memory_space<vmem>>, vector<1280x128xf32>
    %add3A_12 = arith.addf %add3A, %get3A_11 : vector<1280x128xf32>
    %get3A_13 = arith.constant 0 : index
    %get3A_14 = arith.constant 0 : index
    %get3A_15 = vector.load %arg3[%get3A_13, %get3A_14] : memref<1280x1xf32, #tpu.memory_space<vmem>>, vector<1280x1xf32>
    %mul3A = vector.broadcast %get3A_15 : vector<1280x1xf32> to vector<1280x128xf32>
    %mul3A_16 = arith.mulf %add3A_12, %mul3A : vector<1280x128xf32>
    %get3A_17 = arith.constant 0 : index
    %get3A_18 = arith.constant 0 : index
    %get3A_19 = vector.load %arg4[%get3A_17, %get3A_18] : memref<128x128xf32, #tpu.memory_space<vmem>>, vector<128x128xf32>
    %dot_general3A = arith.constant dense<0.000000e+00> : vector<1280x128xf32>
    %dot_general3A_20 = tpu.matmul %mul3A_16, %get3A_19, %dot_general3A {dimension_numbers = #tpu.dot_dimension_numbers<[1], [0], [0], [1], [0, 0, 1, 1], [], []>, transpose_lhs_hint = false} : vector<1280x128xf32>, vector<128x128xf32>, vector<1280x128xf32> -> vector<1280x128xf32>
    %get3A_21 = arith.constant 0 : index
    %get3A_22 = arith.constant 0 : index
    %get3A_23 = vector.load %arg5[%get3A_21, %get3A_22] : memref<1x128xf32, #tpu.memory_space<vmem>>, vector<1x128xf32>
    %add3A_24 = vector.broadcast %get3A_23 : vector<1x128xf32> to vector<1280x128xf32>
    %add3A_25 = arith.addf %dot_general3A_20, %add3A_24 : vector<1280x128xf32>
    %swap3A = arith.constant 0 : index
    %swap3A_26 = arith.constant 0 : index
    %swap3A_27 = vector.load %arg6[%swap3A, %swap3A_26] : memref<1280x128xf32, #tpu.memory_space<vmem>>, vector<1280x128xf32>
    tpu.vector_store %arg6[%swap3A, %swap3A_26], %add3A_25 {strides = array<i32>} : memref<1280x128xf32, #tpu.memory_space<vmem>>, vector<1280x128xf32>,
    %mul3A_28 = arith.constant 1280 : i32
    %mul3A_29 = arith.muli %arg0, %mul3A_28 : i32
    %iota3A = tpu.iota {dimensions = array<i32: 0>} : vector<1280x1xi32>
    %add3A_30 = vector.broadcast %mul3A_29 : i32 to vector<1280x1xi32>
    %add3A_31 = arith.addi %add3A_30, %iota3A : vector<1280x1xi32>
    %lt3A = arith.constant 10000 : i32
    %lt3A_32 = vector.broadcast %lt3A : i32 to vector<1280x1xi32>
    %lt3A_33 = arith.cmpi slt, %add3A_31, %lt3A_32 : vector<1280x1xi32>
    %jit3A = arith.constant 0.000000e+00 : f32
    %broadcast_in_dim3A = vector.shape_cast %lt3A_33 : vector<1280x1xi1> to vector<1280x1xi1>
    %broadcast_in_dim3A_34 = vector.broadcast %broadcast_in_dim3A : vector<1280x1xi1> to vector<1280x128xi1>
    %broadcast_in_dim3A_35 = vector.broadcast %jit3A : f32 to vector<1280x128xf32>
    %select_n3A = arith.select %broadcast_in_dim3A_34, %add3A_25, %broadcast_in_dim3A_35 : vector<1280x128xi1>, vector<1280x128xf32>
    %reduce_sum3A = arith.constant dense<0.000000e+00> : vector<128xf32>
    %reduce_sum3A_36 = vector.multi_reduction <add>, %select_n3A, %reduce_sum3A [0] : vector<1280x128xf32> to vector<128xf32>
    %broadcast_in_dim3A_37 = vector.shape_cast %reduce_sum3A_36 : vector<128xf32> to vector<1x128xf32>
    %mul3A_38 = arith.mulf %select_n3A, %select_n3A : vector<1280x128xf32>
    %reduce_sum3A_39 = arith.constant dense<0.000000e+00> : vector<128xf32>
    %reduce_sum3A_40 = vector.multi_reduction <add>, %mul3A_38, %reduce_sum3A_39 [0] : vector<1280x128xf32> to vector<128xf32>
    %broadcast_in_dim3A_41 = vector.shape_cast %reduce_sum3A_40 : vector<128xf32> to vector<1x128xf32>
    %concatenate3A = tpu.concatenate %broadcast_in_dim3A_37, %broadcast_in_dim3A_41 in 0 : vector<1x128xf32>, vector<1x128xf32> -> vector<2x128xf32>
    %reshape3A = vector.shape_cast %concatenate3A : vector<2x128xf32> to vector<1x2x128xf32>
    %swap3A_42 = arith.constant 0 : index
    %swap3A_43 = arith.constant 0 : index
    %swap3A_44 = arith.constant 0 : index
    %swap3A_45 = vector.load %arg7[%swap3A_42, %swap3A_43, %swap3A_44] : memref<1x2x128xf32, #tpu.memory_space<vmem>>, vector<1x2x128xf32>
    tpu.vector_store %arg7[%swap3A_42, %swap3A_43, %swap3A_44], %reshape3A {strides = array<i32>} : memref<1x2x128xf32, #tpu.memory_space<vmem>>, vector<1x2x128xf32>,
    return
  }
  func.func @transform_0(%arg0: i32) -> (i32, i32, i32) {
    %c0_i32 = arith.constant 0 : i32
    %c0_i32_0 = arith.constant 0 : i32
    %c0_i32_1 = arith.constant 0 : i32
    return %c0_i32, %arg0, %c0_i32_0 : i32, i32, i32
  }
  func.func @transform_1(%arg0: i32) -> (i32, i32) {
    %c0_i32 = arith.constant 0 : i32
    %c0_i32_0 = arith.constant 0 : i32
    return %arg0, %c0_i32 : i32, i32
  }
  func.func @transform_2(%arg0: i32) -> (i32, i32) {
    %c0_i32 = arith.constant 0 : i32
    %c0_i32_0 = arith.constant 0 : i32
    return %arg0, %c0_i32 : i32, i32
  }
  func.func @transform_3(%arg0: i32) -> (i32, i32) {
    %c0_i32 = arith.constant 0 : i32
    %c0_i32_0 = arith.constant 0 : i32
    %c0_i32_1 = arith.constant 0 : i32
    return %c0_i32, %c0_i32_0 : i32, i32
  }
  func.func @transform_4(%arg0: i32) -> (i32, i32) {
    %c0_i32 = arith.constant 0 : i32
    %c0_i32_0 = arith.constant 0 : i32
    %c0_i32_1 = arith.constant 0 : i32
    return %c0_i32, %c0_i32_0 : i32, i32
  }
  func.func @transform_5(%arg0: i32) -> (i32, i32) {
    %c0_i32 = arith.constant 0 : i32
    %c0_i32_0 = arith.constant 0 : i32
    return %arg0, %c0_i32 : i32, i32
  }
  func.func @transform_6(%arg0: i32) -> (i32, i32, i32) {
    %c0_i32 = arith.constant 0 : i32
    %c0_i32_0 = arith.constant 0 : i32
    %c0_i32_1 = arith.constant 0 : i32
    return %arg0, %c0_i32, %c0_i32_0 : i32, i32, i32
  }
}

module attributes {stable_mosaic.version = 14 : i64} {
  func.func @_bn_body(%arg0: i32, %arg1: memref<1000x128xf32, #tpu.memory_space<vmem>>, %arg2: memref<8x2x128xf32, #tpu.memory_space<vmem>>, %arg3: memref<1x128xf32, #tpu.memory_space<vmem>>, %arg4: memref<1x128xf32, #tpu.memory_space<vmem>>, %arg5: memref<1000x128xf32, #tpu.memory_space<vmem>>) attributes {dimension_semantics = [#tpu.dimension_semantics<arbitrary>], iteration_bounds = array<i64: 10>, scalar_prefetch = 0 : i64, scratch_operands = 0 : i64, tpu.core_type = #tpu.core_type<tc>, window_params = [{transform_indices = @transform_0, window_bounds = array<i64: 1000, 128>}, {pipeline_mode = #tpu.pipeline_mode<synchronous>, transform_indices = @transform_1, window_bounds = array<i64: 8, 2, 128>}, {pipeline_mode = #tpu.pipeline_mode<synchronous>, transform_indices = @transform_2, window_bounds = array<i64: 1, 128>}, {pipeline_mode = #tpu.pipeline_mode<synchronous>, transform_indices = @transform_3, window_bounds = array<i64: 1, 128>}, {transform_indices = @transform_4, window_bounds = array<i64: 1000, 128>}]} {
    %get3A = arith.constant 0 : index
    %get3A_0 = arith.constant 0 : index
    %get3A_1 = arith.constant 0 : index
    %get3A_2 = vector.load %arg2[%get3A, %get3A_0, %get3A_1] : memref<8x2x128xf32, #tpu.memory_space<vmem>>, vector<8x2x128xf32>
    %reduce_sum3A = arith.constant dense<0.000000e+00> : vector<2x128xf32>
    %reduce_sum3A_3 = vector.multi_reduction <add>, %get3A_2, %reduce_sum3A [0] : vector<8x2x128xf32> to vector<2x128xf32>
    %slice3A = vector.extract_strided_slice %reduce_sum3A_3 {offsets = [0, 0], sizes = [1, 128], strides = [1, 1]} : vector<2x128xf32> to vector<1x128xf32>
    %mul3A = arith.constant 9.99999974E-5 : f32
    %mul3A_4 = vector.broadcast %mul3A : f32 to vector<1x128xf32>
    %mul3A_5 = arith.mulf %slice3A, %mul3A_4 : vector<1x128xf32>
    %slice3A_6 = vector.extract_strided_slice %reduce_sum3A_3 {offsets = [1, 0], sizes = [1, 128], strides = [1, 1]} : vector<2x128xf32> to vector<1x128xf32>
    %mul3A_7 = arith.constant 9.99999974E-5 : f32
    %mul3A_8 = vector.broadcast %mul3A_7 : f32 to vector<1x128xf32>
    %mul3A_9 = arith.mulf %slice3A_6, %mul3A_8 : vector<1x128xf32>
    %mul3A_10 = arith.mulf %mul3A_5, %mul3A_5 : vector<1x128xf32>
    %sub3A = arith.subf %mul3A_9, %mul3A_10 : vector<1x128xf32>
    %get3A_11 = arith.constant 0 : index
    %get3A_12 = arith.constant 0 : index
    %get3A_13 = vector.load %arg3[%get3A_11, %get3A_12] : memref<1x128xf32, #tpu.memory_space<vmem>>, vector<1x128xf32>
    %add3A = arith.constant 9.99999974E-6 : f32
    %add3A_14 = vector.broadcast %add3A : f32 to vector<1x128xf32>
    %add3A_15 = arith.addf %sub3A, %add3A_14 : vector<1x128xf32>
    %rsqrt3A = math.rsqrt %add3A_15 : vector<1x128xf32>
    %mul3A_16 = arith.mulf %get3A_13, %rsqrt3A : vector<1x128xf32>
    %get3A_17 = arith.constant 0 : index
    %get3A_18 = arith.constant 0 : index
    %get3A_19 = vector.load %arg4[%get3A_17, %get3A_18] : memref<1x128xf32, #tpu.memory_space<vmem>>, vector<1x128xf32>
    %mul3A_20 = arith.mulf %mul3A_5, %mul3A_16 : vector<1x128xf32>
    %sub3A_21 = arith.subf %get3A_19, %mul3A_20 : vector<1x128xf32>
    %get3A_22 = arith.constant 0 : index
    %get3A_23 = arith.constant 0 : index
    %get3A_24 = vector.load %arg1[%get3A_22, %get3A_23] : memref<1000x128xf32, #tpu.memory_space<vmem>>, vector<1000x128xf32>
    %mul3A_25 = vector.broadcast %mul3A_16 : vector<1x128xf32> to vector<1000x128xf32>
    %mul3A_26 = arith.mulf %get3A_24, %mul3A_25 : vector<1000x128xf32>
    %add3A_27 = vector.broadcast %sub3A_21 : vector<1x128xf32> to vector<1000x128xf32>
    %add3A_28 = arith.addf %mul3A_26, %add3A_27 : vector<1000x128xf32>
    %max3A = arith.constant 0.000000e+00 : f32
    %max3A_29 = vector.broadcast %max3A : f32 to vector<1000x128xf32>
    %max3A_30 = arith.maximumf %add3A_28, %max3A_29 : vector<1000x128xf32>
    %swap3A = arith.constant 0 : index
    %swap3A_31 = arith.constant 0 : index
    %swap3A_32 = vector.load %arg5[%swap3A, %swap3A_31] : memref<1000x128xf32, #tpu.memory_space<vmem>>, vector<1000x128xf32>
    tpu.vector_store %arg5[%swap3A, %swap3A_31], %max3A_30 {strides = array<i32>} : memref<1000x128xf32, #tpu.memory_space<vmem>>, vector<1000x128xf32>,
    return
  }
  func.func @transform_0(%arg0: i32) -> (i32, i32) {
    %c0_i32 = arith.constant 0 : i32
    %c0_i32_0 = arith.constant 0 : i32
    return %arg0, %c0_i32 : i32, i32
  }
  func.func @transform_1(%arg0: i32) -> (i32, i32, i32) {
    %c0_i32 = arith.constant 0 : i32
    %c0_i32_0 = arith.constant 0 : i32
    %c0_i32_1 = arith.constant 0 : i32
    %c0_i32_2 = arith.constant 0 : i32
    return %c0_i32, %c0_i32_0, %c0_i32_1 : i32, i32, i32
  }
  func.func @transform_2(%arg0: i32) -> (i32, i32) {
    %c0_i32 = arith.constant 0 : i32
    %c0_i32_0 = arith.constant 0 : i32
    %c0_i32_1 = arith.constant 0 : i32
    return %c0_i32, %c0_i32_0 : i32, i32
  }
  func.func @transform_3(%arg0: i32) -> (i32, i32) {
    %c0_i32 = arith.constant 0 : i32
    %c0_i32_0 = arith.constant 0 : i32
    %c0_i32_1 = arith.constant 0 : i32
    return %c0_i32, %c0_i32_0 : i32, i32
  }
  func.func @transform_4(%arg0: i32) -> (i32, i32) {
    %c0_i32 = arith.constant 0 : i32
    %c0_i32_0 = arith.constant 0 : i32
    return %arg0, %c0_i32 : i32, i32
  }
}

</mosaic_0001>

<sc_bundles>
// kernel: kernel.11.cloned.1.call-start
scs
__scs_entry_jumppad:
0x0: {  	(pc) =	sbr.rel $0x88, $3  }
0x1: {  	(tag) =	ssettag $0x0;
	lr =	simm.s32 $0x1  }
0x2: {  	[smem:$0x3F9B] =	sst lr;
	_ =	strace $0xD0000000  }
0x3: {  	_ = 	snop  }
0x4: {  	_ = 	snop  }
0x5: {  	_ = 	snop  }
0x6: {  	_ = 	snop  }
0x7: {  	_ = 	snop  }
__scs_overlays_trampoline_lowered:
0x8: {  	[smem:$0x3FAA] =	sst s0  }
0x9: {  	[smem:$0x3FAB] =	sst s1  }
0xa: {  	[smem:$0x3FAC] =	sst s2  }
0xb: {  	[smem:$0x3FAD] =	sst s3  }
0xc: {  	[smem:$0x3FAE] =	sst s4  }
0xd: {  	[smem:$0x3FAF] =	sst s5  }
0xe: {  	[smem:$0x3FB0] =	sst s6  }
0xf: {  	[smem:$0x3FB1] =	sst s7  }
0x10: {  	[smem:$0x3FB2] =	sst s8  }
0x11: {  	[smem:$0x3FB3] =	sst s9;
	s0 =	simm.s32 @!p0 $0x0  }
0x12: {  	s1 =	sld [smem:$0x3F99];
	s0 =	simm.s32 @p0 $0x1  }
0x13: {  	[smem:$0x3FB4] =	sst s0;
	s0 =	simm.s32 @!p1 $0x0  }
0x14: {  	s2 =	sld [smem:$0x3F98];
	s0 =	simm.s32 @p1 $0x1  }
0x15: {  	[smem:$0x3FB5] =	sst s0;
	s0 =	simm.s32 @!p2 $0x0  }
0x16: {  	s3 =	sld [smem:$0x3FDB];
	s0 =	simm.s32 @p2 $0x1  }
0x17: {  	s4 =	simm.s32 $0x1BF5;
	[smem:$0x3FB7] =	sst s0  }
0x18: {  	s0 =	sld [smem:$0x3F9A];
	_ =	swait.ge [sflag:s4], $0x0  }
0x19: {  	s7 =	sld [smem:$0x3F9B]  }
0x1a: {  	s8 =	sadd.s32 $0xFFFFE003, lr  }
0x1b: {  	s9 =	sadd.s32 $0xFFFFFEF7, lr;
	s5 =	simm.s32 $0xFFFFFFFF;
	p2 =	slt.u32 s8, $0xFFFFF086  }
0x1c: {  	p1 =	slt.u32 s9, $0xF7A;
	s5 =	simm.s32 @!p2 $0x0  }
0x1d: {  	s5 =	simm.s32 @p1 $0x1;
	p0 =	seq.s32 s7, s2  }
0x1e: {  	s7 =	smul.u32 @!p0 $0xF7A, s2;
	p2 =	seq.s32 @!p0 s5, $0x0  }
0x1f: {  	s9 =	smul.u32 $0xF7A, s1;
	s8 =	simm.s32 @!p0 $0x1BF5;
	p2 =	por !p2, p0  }
0x20: {  	[sflag:s8] =	ssyncset.s32 @!p0 $0xFFFFF086;
	s6 =	sadd.s32 @!p0 s3, s7;
	s7 =	simm.s32 @!p0 $0x108  }
0x21: {  	s3 =	sadd.s32 s3, s9;
	s6 =	sadd.s32 @!p0 $0x88, s6;
	s7 =	simm.s32 @p2 $0x1082  }
0x22: {  	[simem:s7], [sflag:s8] =	dma.local @!p0 [hbm:s6], $0xF7A  }
0x23: {  	s9 =	sor.u32 $0xD0000000, s2;
	s6 =	simm.s32 $0x108;
	_ =	swait.ge @!p0 [sflag:s8], $0x0  }
0x24: {  	s3 =	sadd.s32 $0x88, s3;
	s6 =	simm.s32 @!p1 $0x1082;
	[sflag:s4] =	ssyncset.s32 $0xFFFFF086  }
0x25: {  	[simem:s6], [sflag:s4] =	dma.local [hbm:s3], $0xF7A  }
0x26: {  	[smem:$0x3F9B] =	sst s1;
	(tag) =	ssettag s2;
	_ =	strace s9  }
0x27: {  	s1 =	sld [smem:$0x3FAB]  }
0x28: {  	s2 =	sld [smem:$0x3FAC]  }
0x29: {  	s4 =	sld [smem:$0x3FAE]  }
0x2a: {  	p0 =	seq.s32 s5, $0x0;
	s5 =	sld [smem:$0x3FAF]  }
0x2b: {  	s6 =	sld [smem:$0x3FB0]  }
0x2c: {  	s7 =	sld [smem:$0x3FB1]  }
0x2d: {  	s3 =	simm.s32 $0x108;
	s8 =	sld [smem:$0x3FB2]  }
0x2e: {  	s3 =	simm.s32 @!p0 $0x1082;
	s9 =	sld [smem:$0x3FB3]  }
0x2f: {  	lr =	sadd.s32 s0, s3;
	s0 =	sld [smem:$0x3FAA]  }
0x30: {  	s3 =	sld [smem:$0x3FAD]  }
0x31: {  	[smem:$0x3FB6] =	sst s10  }
0x32: {  	s10 =	sld [smem:$0x3FB4];
	_ =	sdelay $0x3  }
0x33: {  	p0 =	seq.s32 s10, $0x1;
	s10 =	sld [smem:$0x3FB6];
	_ =	sdelay $0x3  }
0x34: {  	[smem:$0x3FB6] =	sst s10  }
0x35: {  	s10 =	sld [smem:$0x3FB5];
	_ =	sdelay $0x3  }
0x36: {  	p1 =	seq.s32 s10, $0x1;
	s10 =	sld [smem:$0x3FB6];
	_ =	sdelay $0x3  }
0x37: {  	[smem:$0x3FB6] =	sst s10  }
0x38: {  	s10 =	sld [smem:$0x3FB7]  }
0x39: {  	_ = 	snop;
	(pc) =	sbr.ind lr, $3  }
0x3a: {  	_ = 	snop  }
0x3b: {  	_ = 	snop  }
0x3c: {  	p2 =	seq.s32 s10, $0x1;
	s10 =	sld [smem:$0x3FB6]  }
0x3d: {  	_ =	shalt  }
0x3e: {  	_ =	shalt  }
0x3f: {  	_ =	shalt  }
0x40: {  	_ =	shalt  }
0x41: {  	_ =	shalt  }
0x42: {  	_ =	shalt  }
0x43: {  	_ =	shalt  }
0x44: {  	_ =	shalt  }
0x45: {  	_ =	shalt  }
0x46: {  	_ =	shalt  }
0x47: {  	_ =	shalt  }
0x48: {  	_ =	shalt  }
0x49: {  	_ =	shalt  }
0x4a: {  	_ =	shalt  }
0x4b: {  	_ =	shalt  }
0x4c: {  	_ =	shalt  }
0x4d: {  	_ =	shalt  }
0x4e: {  	_ =	shalt  }
0x4f: {  	_ =	shalt  }
0x50: {  	_ =	shalt  }
0x51: {  	_ =	shalt  }
0x52: {  	_ =	shalt  }
0x53: {  	_ =	shalt  }
0x54: {  	_ =	shalt  }
0x55: {  	_ =	shalt  }
0x56: {  	_ =	shalt  }
0x57: {  	_ =	shalt  }
0x58: {  	_ =	shalt  }
0x59: {  	_ =	shalt  }
0x5a: {  	_ =	shalt  }
0x5b: {  	_ =	shalt  }
0x5c: {  	_ =	shalt  }
0x5d: {  	_ =	shalt  }
0x5e: {  	_ =	shalt  }
0x5f: {  	_ =	shalt  }
0x60: {  	_ =	shalt  }
0x61: {  	_ =	shalt  }
0x62: {  	_ =	shalt  }
0x63: {  	_ =	shalt  }
0x64: {  	_ =	shalt  }
0x65: {  	_ =	shalt  }
0x66: {  	_ =	shalt  }
0x67: {  	_ =	shalt  }
0x68: {  	_ =	shalt  }
0x69: {  	_ =	shalt  }
0x6a: {  	_ =	shalt  }
0x6b: {  	_ =	shalt  }
0x6c: {  	_ =	shalt  }
0x6d: {  	_ =	shalt  }
0x6e: {  	_ =	shalt  }
0x6f: {  	_ =	shalt  }
0x70: {  	_ =	shalt  }
0x71: {  	_ =	shalt  }
0x72: {  	_ =	shalt  }
0x73: {  	_ =	shalt  }
0x74: {  	_ =	shalt  }
0x75: {  	_ =	shalt  }
0x76: {  	_ =	shalt  }
0x77: {  	_ =	shalt  }
0x78: {  	_ =	shalt  }
0x79: {  	_ =	shalt  }
0x7a: {  	_ =	shalt  }
0x7b: {  	_ =	shalt  }
0x7c: {  	_ =	shalt  }
0x7d: {  	_ =	shalt  }
0x7e: {  	_ =	shalt  }
0x7f: {  	_ =	shalt  }
0x80: {  	_ =	shalt  }
0x81: {  	_ =	shalt  }
0x82: {  	_ =	shalt  }
0x83: {  	_ =	shalt  }
0x84: {  	_ =	shalt  }
0x85: {  	_ =	shalt  }
0x86: {  	_ =	shalt  }
0x87: {  	_ =	shalt  }
.Lfunc_end0:
.L_simem_size_0:
called_computation.1_lowered:
.L_overlay_start_0:
0x88: {  	s2 =	sld [smem:$0x3FD9]  }
0x89: {  	s3 =	sld [smem:$0x3FFE];
	_ =	sdelay $0x1  }
0x8a: {  	s1 =	srdreg.scid  }
0x8b: {  	s0 =	sand.u32 $0x1, s1  }
0x8c: {  	s17 =	sshll.u32 s0, $0xA;
	s2 =	sadd.s32 s3, s2  }
0x8d: {  	s2 =	sadd.s32 s2, s17  }
0x8e: {  	[smem:$0x3FC2] =	sst s2  }
0x8f: {  	_ = 	snop  }
0x90: {  	s2 =	sld [smem:$0x3FD0];
	(tm) =	ssettm $0x1  }
0x91: {  	s18 =	sld [smem:$0x3FFB];
	_ =	sdelay $0x3  }
0x92: {  	_ =	strace s18  }
0x93: {  	s3 =	sld [smem:$0x3FFC];
	_ =	sdelay $0x3  }
0x94: {  	_ =	strace s3  }
0x95: {  	s3 =	sld [smem:$0x3FFD];
	_ =	sdelay $0x3  }
0x96: {  	_ =	strace s3  }
0x97: {  	_ =	strace $0x8FFFFFFF  }
0x98: {  	s19 =	sld [smem:$0x3FDB];
	_ =	sdelay $0x1  }
0x99: {  	s4 =	simm.s32 $_scs_section_size  }
0x9a: {  	s5 =	simm.s32 $_size__tile_overlayer_lowered;
	s6 =	simm.s32 $_tile_overlayer_lowered  }
0x9b: {  	s22 =	simm.s32 $0x1BFF;
	s21 =	sshll.u32 s6, $0x1;
	s3 =	sadd.s32 s4, s19  }
0x9c: {  	s7 =	simm.s32 $0x0;
	s20 =	sshll.u32 s5, $0x1;
	s5 =	sadd.s32 s21, s3  }
0x9d: {  	[timem:s7], [sflag:s22] =	dma.local [hbm:s5], s20  }
0x9e: {  	_ =	swait.ge [sflag:s22], s20  }
0x9f: {  	s4 =	ssub.s32 $0x0, s20;
	[sflag:s22] =	ssyncset.done $0x0  }
0xa0: {  	[sflag:s22] =	ssyncadd.s32 s4;
	_ =	sdelay $0x1  }
0xa1: {  	s23 =	simm.s32 $0x1B8B  }
0xa2: {  	_ =	swait.ge [sflag:s23], $0x1  }
0xa3: {  	[sflag:s23] =	ssyncset.done $0x0  }
0xa4: {  	s25 =	simm.s32 $0x1B8E;
	s24 =	sld [smem:$0x3FFE];
	[sflag:s23] =	ssyncadd.s32 $0xFFFFFFFF  }
0xa5: {  	s26 =	simm.s32 $execute0_lowered;
	[smem:$0x3FD2] =	sst s25  }
0xa6: {  	s5 =	sshll.u32 s26, $0x1;
	_ =	strace $0x80000049;
	[dreg:$0x1] =	wrdreg $0xFFFFFFFF  }
0xa7: {  	s28 =	simm.s32 $_size_execute0_lowered;
	s3 =	sadd.s32 s3, s5;
	[dreg:$0x0] =	wrdreg $0x0  }
0xa8: {  	s5 =	sshll.u32 s28, $0x1;
	[dreg:$0x2] =	wrdreg s3  }
0xa9: {  	[dreg:$0x3] =	wrdreg s5  }
0xaa: {  	[dreg:$0x4] =	wrdreg $0xC0  }
0xab: {  	_ =	task [dreg:s7], $0x5FFFF  }
0xac: {  	[dreg:$0x1] =	wrdreg $0xFFFFFFFF  }
0xad: {  	[dreg:$0x0] =	wrdreg $0x60  }
0xae: {  	[dreg:$0x2] =	wrdreg s24  }
0xaf: {  	[dreg:$0x3] =	wrdreg s2  }
0xb0: {  	[dreg:$0x4] =	wrdreg $0xB0000  }
0xb1: {  	[dreg:$0x5] =	wrdreg $0x9  }
0xb2: {  	_ =	task.clear_ibuf [dreg:s7], $0x6FFFF;
	_ =	strace $0x90000049  }
0xb3: {  	s29 =	simm.s32 $0x9;
	_ =	strace $0x8000004B  }
0xb4: {  	_ =	swait.ge [sflag:s29], $0x1  }
0xb5: {  	[sflag:s29] =	ssyncadd.s32 $0xFFFFFFFF  }
0xb6: {  	_ =	strace $0x9000004B  }
0xb7: {  	_ =	sfence  }
0xb8: {  	s30 =	sld [smem:$0x0];
	_ =	sdelay $0x2  }
0xb9: {  	s31 =	sshll.u32 s1, $0xD;
	s1 =	sshrl.u32 s1, $0x2  }
0xba: {  	s3 =	sand.u32 $0x4000, s31;
	s1 =	sadd.s32 s1, s30  }
0xbb: {  	s0 =	sor.u32 s3, s0;
	s1 =	sshll.u32 s1, $0x11  }
0xbc: {  	s0 =	sor.u32 s1, s0  }
0xbd: {  	s0 =	sadd.s32 $0x8F2B, s0  }
0xbe: {  	[sflag:s0] =	ssyncadd.remote.s32 $0x1  }
0xbf: {  	_ =	sfence.sel $0xFFFF  }
0xc0: {  	[dreg:$0x0] =	wrdreg $0xFFFFFFFF;
	(pc) =	sbr.abs _section_cstart, $3  }
0xc1: {  	[dreg:$0x1] =	wrdreg $0xFFFFFFFF  }
0xc2: {  	_ =	task.clear_ibuf [dreg:s7], $0x2FFFF;
	_ =	strace $0x9FFFFFFF  }
0xc3: {  	(tm) =	ssettm $0x7FFFFFFF  }
tec
execute0_lowered:
.L_overlay_start_1:
0x0: {  	(tag) =	ssettag $0x1  }
0x1: {  	s0 =	rddreg [dreg:$0x0]  }
0x2: {  	s10 =	rddreg [dreg:$0x1]  }
0x3: {  	s1 =	rddreg [dreg:$0x2];
	s2 =	srdreg.scid  }
0x4: {  	s3 =	simm.s32 $0x0;
	s20 =	simm.s32 $0x3000;
	s21 =	simm.s32 $0x3  }
0x5: {  	s22 =	simm.s32 $0x1800;
	s29 =	simm.s32 $0x1780;
	s11 =	sand.u32 $0x1, s2  }
0x6: {  	s30 =	simm.s32 $0x2F00;
	s2 =	stileid.u32;
	s5 =	smul.u32 $0x140000, s11  }
0x7: {  	s31 =	simm.s32 $0x2F80;
	[smem:$0x7FF] =	sst s3;
	s6 =	smul.u32 $0x14000, s2  }
0x8: {  	s4 =	sadd.s32 $0x20000, s0;
	s16 =	sadd.s32 $0x16000, s0;
	s7 =	smul.u32 $0x50000, s2  }
0x9: {  	_ =	strace $0x8000004A;
	s23 =	ssub.s32 $0x2, s11;
	s12 =	smul.u32 $0x4800, s2  }
0xa: {  	s13 =	smul.u32 $0x900, s2;
	p0 =	seq.s32 s11, $0x1;
	s15 =	sshll.u32 s2, $0x8  }
0xb: {  	s8 =	sshrl.u32 s23, $0x1;
	s17 =	sor.u32 $0x9000, s15;
	s5 =	sadd.s32 s6, s5  }
0xc: {  	s7 =	sshrl.u32 s7, $0x2;
	s19 =	ssub.s32 s23, s8;
	s25 =	sadd.s32 s16, s13  }
0xd: {  	s24 =	sshrl.u32 s12, $0x3;
	s26 =	sadd.s32 s10, s13;
	[dreg:$0x4] =	wrdreg s25  }
0xe: {  	s23 =	simm.s32 $0x80;
	s5 =	sshrl.u32 s5, $0x3;
	[dreg:$0x5] =	wrdreg s26  }
0xf: {  	s28 =	sadd.s32 $0x300, s24;
	s11 =	sadd.s32 $0x600, s24;
	s19 =	smax.u32 s19, $0x1  }
0x10: {  	s24 =	simm.s32 $0x1;
	s25 =	simm.s32 $0x7000;
	s26 =	simm.s32 $0x2  }
.Ltmp0:
0x11: {  	s0 =	sadd.s32 s5, s0;
	s5 =	sadd.s32 s7, s1;
	(pc) =	sbr.rel .LBB2_1-.Ltmp0, $4  }
0x12: {  	s12 =	sadd.s32 s16, s28;
	s13 =	sadd.s32 s10, s28;
	s14 =	sadd.s32 s16, s11  }
0x13: {  	s15 =	sadd.s32 s10, s11;
	s16 =	sadd.s32 s16, s17;
	s17 =	sadd.s32 s10, s17  }
0x14: {  	s6 =	sadd.s32 $0x4000, s5;
	s7 =	sadd.s32 $0x8000, s5;
	s8 =	sadd.s32 $0xC000, s5  }
0x15: {  	v0 =	vimm.f32 $0.0e+00;
	s9 =	sadd.s32 $0x10000, s5;
	s18 =	sadd.s32 $0x48000, s0;
	s0 =	simm.s32 $0x0  }
.LBB2_11:
0x16: {  	[tilespmem:s3], [sflag:$0x3] =	stream.linear.gather [hbm4b:s16+s3], $0x800, $0x38;
	[tilespmem:$0x1F000] =	vst v63  }
0x17: {  	_ =	swait.ge [sflag:s21], $0x800  }
0x18: {  	[sflag:s21] =	ssyncset.done $0x0  }
0x19: {  	[sflag:s21] =	ssyncadd.s32 $0xFFFFF800  }
0x1a: {  	[tilespmem:s22], [sflag:$0x3] =	stream.linear.gather [hbm4b:s17+s3], $0x800, $0x38;
	[tilespmem:$0x1F000] =	vst v63  }
0x1b: {  	_ =	swait.ge [sflag:s21], $0x800  }
0x1c: {  	[sflag:s21] =	ssyncset.done $0x0  }
0x1d: {  	[sflag:s21] =	ssyncadd.s32 $0xFFFFF800  }
0x1e: {  	[tilespmem:s20], [sflag:$0x1] =	stream.indirect.gather [hbm4b:s4+s23], $0x80, s3, s23, $0xb8;
	[tilespmem:$0x1F000] =	vst v63  }
0x1f: {  	_ =	swait.ge [sflag:s24], $0x4000  }
0x20: {  	[sflag:s24] =	ssyncset.done $0x0  }
0x21: {  	[sflag:s24] =	ssyncadd.s32 $0xFFFFC000  }
0x22: {  	[tilespmem:s25], [sflag:$0x2] =	stream.indirect.gather [hbm4b:s4+s23], $0x80, s23, s23, $0xb8;
	[tilespmem:$0x1F000] =	vst v63  }
0x23: {  	_ = 	snop  }
0x24: {  	[spmem:s1] =	stream.indirect.scatter.add.f32 [tilespmem:s20], [sflag:$0x3], $0x80, s22, s23, $0xb8;
	[tilespmem:$0x1F000] =	vst v63  }
0x25: {  	_ =	swait.ge [sflag:s21], $0x4000  }
0x26: {  	[sflag:s21] =	ssyncset.done $0x0  }
0x27: {  	[sflag:s21] =	ssyncadd.s32 $0xFFFFC000  }
0x28: {  	_ =	swait.ge [sflag:s26], $0x4000  }
0x29: {  	[sflag:s26] =	ssyncset.done $0x0  }
0x2a: {  	s10 =	simm.s32 $0x100;
	[sflag:s26] =	ssyncadd.s32 $0xFFFFC000  }
0x2b: {  	[tilespmem:s20], [sflag:$0x1] =	stream.indirect.gather [hbm4b:s4+s23], $0x80, s10, s23, $0xb8;
	[tilespmem:$0x1F000] =	vst v63  }
0x2c: {  	s11 =	simm.s32 $0x1880  }
0x2d: {  	[spmem:s1] =	stream.indirect.scatter.add.f32 [tilespmem:s25], [sflag:$0x3], $0x80, s11, s23, $0xb8;
	[tilespmem:$0x1F000] =	vst v63  }
0x2e: {  	_ =	swait.ge [sflag:s21], $0x4000  }
0x2f: {  	[sflag:s21] =	ssyncset.done $0x0  }
0x30: {  	[sflag:s21] =	ssyncadd.s32 $0xFFFFC000  }
0x31: {  	_ =	swait.ge [sflag:s24], $0x4000  }
0x32: {  	[sflag:s24] =	ssyncset.done $0x0  }
0x33: {  	s11 =	simm.s32 $0x180;
	[sflag:s24] =	ssyncadd.s32 $0xFFFFC000  }
0x34: {  	[tilespmem:s25], [sflag:$0x2] =	stream.indirect.gather [hbm4b:s4+s23], $0x80, s11, s23, $0xb8;
	[tilespmem:$0x1F000] =	vst v63  }
0x35: {  	s11 =	simm.s32 $0x1900  }
0x36: {  	[spmem:s1] =	stream.indirect.scatter.add.f32 [tilespmem:s20], [sflag:$0x3], $0x80, s11, s23, $0xb8;
	[tilespmem:$0x1F000] =	vst v63  }
0x37: {  	_ =	swait.ge [sflag:s21], $0x4000  }
0x38: {  	[sflag:s21] =	ssyncset.done $0x0  }
0x39: {  	[sflag:s21] =	ssyncadd.s32 $0xFFFFC000  }
0x3a: {  	_ =	swait.ge [sflag:s26], $0x4000  }
0x3b: {  	[sflag:s26] =	ssyncset.done $0x0  }
0x3c: {  	s11 =	simm.s32 $0x200;
	[sflag:s26] =	ssyncadd.s32 $0xFFFFC000  }
0x3d: {  	[tilespmem:s20], [sflag:$0x1] =	stream.indirect.gather [hbm4b:s4+s23], $0x80, s11, s23, $0xb8;
	[tilespmem:$0x1F000] =	vst v63  }
0x3e: {  	s11 =	simm.s32 $0x1980  }
0x3f: {  	[spmem:s1] =	stream.indirect.scatter.add.f32 [tilespmem:s25], [sflag:$0x3], $0x80, s11, s23, $0xb8;
	[tilespmem:$0x1F000] =	vst v63  }
0x40: {  	_ =	swait.ge [sflag:s21], $0x4000  }
0x41: {  	[sflag:s21] =	ssyncset.done $0x0  }
0x42: {  	[sflag:s21] =	ssyncadd.s32 $0xFFFFC000  }
0x43: {  	_ =	swait.ge [sflag:s24], $0x4000  }
0x44: {  	[sflag:s24] =	ssyncset.done $0x0  }
0x45: {  	s11 =	simm.s32 $0x280;
	[sflag:s24] =	ssyncadd.s32 $0xFFFFC000  }
0x46: {  	[tilespmem:s25], [sflag:$0x2] =	stream.indirect.gather [hbm4b:s4+s23], $0x80, s11, s23, $0xb8;
	[tilespmem:$0x1F000] =	vst v63  }
0x47: {  	s11 =	simm.s32 $0x1A00  }
0x48: {  	[spmem:s1] =	stream.indirect.scatter.add.f32 [tilespmem:s20], [sflag:$0x3], $0x80, s11, s23, $0xb8;
	[tilespmem:$0x1F000] =	vst v63  }
0x49: {  	_ =	swait.ge [sflag:s21], $0x4000  }
0x4a: {  	[sflag:s21] =	ssyncset.done $0x0  }
0x4b: {  	[sflag:s21] =	ssyncadd.s32 $0xFFFFC000  }
0x4c: {  	_ =	swait.ge [sflag:s26], $0x4000  }
0x4d: {  	[sflag:s26] =	ssyncset.done $0x0  }
0x4e: {  	s11 =	simm.s32 $0x300;
	[sflag:s26] =	ssyncadd.s32 $0xFFFFC000  }
0x4f: {  	[tilespmem:s20], [sflag:$0x1] =	stream.indirect.gather [hbm4b:s4+s23], $0x80, s11, s23, $0xb8;
	[tilespmem:$0x1F000] =	vst v63  }
0x50: {  	s11 =	simm.s32 $0x1A80  }
0x51: {  	[spmem:s1] =	stream.indirect.scatter.add.f32 [tilespmem:s25], [sflag:$0x3], $0x80, s11, s23, $0xb8;
	[tilespmem:$0x1F000] =	vst v63  }
0x52: {  	_ =	swait.ge [sflag:s21], $0x4000  }
0x53: {  	[sflag:s21] =	ssyncset.done $0x0  }
0x54: {  	[sflag:s21] =	ssyncadd.s32 $0xFFFFC000  }
0x55: {  	_ =	swait.ge [sflag:s24], $0x4000  }
0x56: {  	[sflag:s24] =	ssyncset.done $0x0  }
0x57: {  	s11 =	simm.s32 $0x380;
	[sflag:s24] =	ssyncadd.s32 $0xFFFFC000  }
0x58: {  	[tilespmem:s25], [sflag:$0x2] =	stream.indirect.gather [hbm4b:s4+s23], $0x80, s11, s23, $0xb8;
	[tilespmem:$0x1F000] =	vst v63  }
0x59: {  	s11 =	simm.s32 $0x1B00  }
0x5a: {  	[spmem:s1] =	stream.indirect.scatter.add.f32 [tilespmem:s20], [sflag:$0x3], $0x80, s11, s23, $0xb8;
	[tilespmem:$0x1F000] =	vst v63  }
0x5b: {  	_ =	swait.ge [sflag:s21], $0x4000  }
0x5c: {  	[sflag:s21] =	ssyncset.done $0x0  }
0x5d: {  	[sflag:s21] =	ssyncadd.s32 $0xFFFFC000  }
0x5e: {  	_ =	swait.ge [sflag:s26], $0x4000  }
0x5f: {  	[sflag:s26] =	ssyncset.done $0x0  }
0x60: {  	s11 =	simm.s32 $0x400;
	[sflag:s26] =	ssyncadd.s32 $0xFFFFC000  }
0x61: {  	[tilespmem:s20], [sflag:$0x1] =	stream.indirect.gather [hbm4b:s4+s23], $0x80, s11, s23, $0xb8;
	[tilespmem:$0x1F000] =	vst v63  }
0x62: {  	s11 =	simm.s32 $0x1B80  }
0x63: {  	[spmem:s1] =	stream.indirect.scatter.add.f32 [tilespmem:s25], [sflag:$0x3], $0x80, s11, s23, $0xb8;
	[tilespmem:$0x1F000] =	vst v63  }
0x64: {  	_ =	swait.ge [sflag:s21], $0x4000  }
0x65: {  	[sflag:s21] =	ssyncset.done $0x0  }
0x66: {  	[sflag:s21] =	ssyncadd.s32 $0xFFFFC000  }
0x67: {  	_ =	swait.ge [sflag:s24], $0x4000  }
0x68: {  	[sflag:s24] =	ssyncset.done $0x0  }
0x69: {  	s11 =	simm.s32 $0x480;
	[sflag:s24] =	ssyncadd.s32 $0xFFFFC000  }
0x6a: {  	[tilespmem:s25], [sflag:$0x2] =	stream.indirect.gather [hbm4b:s4+s23], $0x80, s11, s23, $0xb8;
	[tilespmem:$0x1F000] =	vst v63  }
0x6b: {  	s11 =	simm.s32 $0x1C00  }
0x6c: {  	[spmem:s1] =	stream.indirect.scatter.add.f32 [tilespmem:s20], [sflag:$0x3], $0x80, s11, s23, $0xb8;
	[tilespmem:$0x1F000] =	vst v63  }
0x6d: {  	_ =	swait.ge [sflag:s21], $0x4000  }
0x6e: {  	[sflag:s21] =	ssyncset.done $0x0  }
0x6f: {  	[sflag:s21] =	ssyncadd.s32 $0xFFFFC000  }
0x70: {  	_ =	swait.ge [sflag:s26], $0x4000  }
0x71: {  	[sflag:s26] =	ssyncset.done $0x0  }
0x72: {  	s11 =	simm.s32 $0x500;
	[sflag:s26] =	ssyncadd.s32 $0xFFFFC000  }
0x73: {  	[tilespmem:s20], [sflag:$0x1] =	stream.indirect.gather [hbm4b:s4+s23], $0x80, s11, s23, $0xb8;
	[tilespmem:$0x1F000] =	vst v63  }
0x74: {  	s11 =	simm.s32 $0x1C80  }
0x75: {  	[spmem:s1] =	stream.indirect.scatter.add.f32 [tilespmem:s25], [sflag:$0x3], $0x80, s11, s23, $0xb8;
	[tilespmem:$0x1F000] =	vst v63  }
0x76: {  	_ =	swait.ge [sflag:s21], $0x4000  }
0x77: {  	[sflag:s21] =	ssyncset.done $0x0  }
0x78: {  	[sflag:s21] =	ssyncadd.s32 $0xFFFFC000  }
0x79: {  	_ =	swait.ge [sflag:s24], $0x4000  }
0x7a: {  	[sflag:s24] =	ssyncset.done $0x0  }
0x7b: {  	s11 =	simm.s32 $0x580;
	[sflag:s24] =	ssyncadd.s32 $0xFFFFC000  }
0x7c: {  	[tilespmem:s25], [sflag:$0x2] =	stream.indirect.gather [hbm4b:s4+s23], $0x80, s11, s23, $0xb8;
	[tilespmem:$0x1F000] =	vst v63  }
0x7d: {  	s11 =	simm.s32 $0x1D00  }
0x7e: {  	[spmem:s1] =	stream.indirect.scatter.add.f32 [tilespmem:s20], [sflag:$0x3], $0x80, s11, s23, $0xb8;
	[tilespmem:$0x1F000] =	vst v63  }
0x7f: {  	_ =	swait.ge [sflag:s21], $0x4000  }
0x80: {  	[sflag:s21] =	ssyncset.done $0x0  }
0x81: {  	[sflag:s21] =	ssyncadd.s32 $0xFFFFC000  }
0x82: {  	_ =	swait.ge [sflag:s26], $0x4000  }
0x83: {  	[sflag:s26] =	ssyncset.done $0x0  }
0x84: {  	s11 =	simm.s32 $0x600;
	[sflag:s26] =	ssyncadd.s32 $0xFFFFC000  }
0x85: {  	[tilespmem:s20], [sflag:$0x1] =	stream.indirect.gather [hbm4b:s4+s23], $0x80, s11, s23, $0xb8;
	[tilespmem:$0x1F000] =	vst v63  }
0x86: {  	s11 =	simm.s32 $0x1D80  }
0x87: {  	[spmem:s1] =	stream.indirect.scatter.add.f32 [tilespmem:s25], [sflag:$0x3], $0x80, s11, s23, $0xb8;
	[tilespmem:$0x1F000] =	vst v63  }
0x88: {  	_ =	swait.ge [sflag:s21], $0x4000  }
0x89: {  	[sflag:s21] =	ssyncset.done $0x0  }
0x8a: {  	[sflag:s21] =	ssyncadd.s32 $0xFFFFC000  }
0x8b: {  	_ =	swait.ge [sflag:s24], $0x4000  }
0x8c: {  	[sflag:s24] =	ssyncset.done $0x0  }
0x8d: {  	s11 =	simm.s32 $0x680;
	[sflag:s24] =	ssyncadd.s32 $0xFFFFC000  }
0x8e: {  	[tilespmem:s25], [sflag:$0x2] =	stream.indirect.gather [hbm4b:s4+s23], $0x80, s11, s23, $0xb8;
	[tilespmem:$0x1F000] =	vst v63  }
0x8f: {  	s11 =	simm.s32 $0x1E00  }
0x90: {  	[spmem:s1] =	stream.indirect.scatter.add.f32 [tilespmem:s20], [sflag:$0x3], $0x80, s11, s23, $0xb8;
	[tilespmem:$0x1F000] =	vst v63  }
0x91: {  	_ =	swait.ge [sflag:s21], $0x4000  }
0x92: {  	[sflag:s21] =	ssyncset.done $0x0  }
0x93: {  	[sflag:s21] =	ssyncadd.s32 $0xFFFFC000  }
0x94: {  	_ =	swait.ge [sflag:s26], $0x4000  }
0x95: {  	[sflag:s26] =	ssyncset.done $0x0  }
0x96: {  	s11 =	simm.s32 $0x700;
	[sflag:s26] =	ssyncadd.s32 $0xFFFFC000  }
0x97: {  	[tilespmem:s20], [sflag:$0x1] =	stream.indirect.gather [hbm4b:s4+s23], $0x80, s11, s23, $0xb8;
	[tilespmem:$0x1F000] =	vst v63  }
0x98: {  	s11 =	simm.s32 $0x1E80  }
0x99: {  	[spmem:s1] =	stream.indirect.scatter.add.f32 [tilespmem:s25], [sflag:$0x3], $0x80, s11, s23, $0xb8;
	[tilespmem:$0x1F000] =	vst v63  }
0x9a: {  	_ =	swait.ge [sflag:s21], $0x4000  }
0x9b: {  	s28 =	simm.s32 $0x1F00;
	[sflag:s21] =	ssyncset.done $0x0  }
0x9c: {  	s10 =	simm.s32 $0x1F80;
	s11 =	simm.s32 $0x780;
	[sflag:s21] =	ssyncadd.s32 $0xFFFFC000  }
.LBB2_12:
0x9d: {  	_ =	swait.ge [sflag:s24], $0x4000  }
0x9e: {  	[sflag:s24] =	ssyncset.done $0x0  }
0x9f: {  	[sflag:s24] =	ssyncadd.s32 $0xFFFFC000  }
0xa0: {  	[tilespmem:s25], [sflag:$0x2] =	stream.indirect.gather [hbm4b:s4+s23], $0x80, s11, s23, $0xb8;
	[tilespmem:$0x1F000] =	vst v63  }
0xa1: {  	_ = 	snop  }
0xa2: {  	[spmem:s1] =	stream.indirect.scatter.add.f32 [tilespmem:s20], [sflag:$0x3], $0x80, s28, s23, $0xb8;
	[tilespmem:$0x1F000] =	vst v63  }
0xa3: {  	_ =	swait.ge [sflag:s21], $0x4000  }
0xa4: {  	[sflag:s21] =	ssyncset.done $0x0  }
0xa5: {  	[sflag:s21] =	ssyncadd.s32 $0xFFFFC000  }
0xa6: {  	_ =	swait.ge [sflag:s26], $0x4000  }
0xa7: {  	[sflag:s26] =	ssyncset.done $0x0  }
0xa8: {  	[sflag:s26] =	ssyncadd.s32 $0xFFFFC000  }
0xa9: {  	[spmem:s1] =	stream.indirect.scatter.add.f32 [tilespmem:s25], [sflag:$0x3], $0x80, s10, s23, $0xb8;
	[tilespmem:$0x1F000] =	vst v63  }
0xaa: {  	s0 =	sadd.s32 $0x1, s0;
	_ =	swait.ge [sflag:s21], $0x4000  }
0xab: {  	p1 =	sne.s32 s0, s19;
	[sflag:s21] =	ssyncset.done $0x0  }
0xac: {  	s11 =	sshll.u32 s2, $0x6;
	s28 =	sshrl.u32 s5, $0x3;
	[sflag:s21] =	ssyncadd.s32 $0xFFFFC000  }
.Ltmp1:
0xad: {  	s10 =	sor.u32 $0x1C03, s11;
	[bflag:$0x0] =	sbarrier.arrive $0xFFFF;
	(pc) =	sbr.rel @!p1 .LBB2_13-.Ltmp1, $4  }
0xae: {  	[hbm:s18], [sflag:s10] =	dma.local [spmem:s28], $0x2800  }
0xaf: {  	_ =	swait.ge [sflag:s21], $0x2800  }
0xb0: {  	[sflag:s21] =	ssyncset.done $0x0  }
0xb1: {  	[sflag:s21] =	ssyncadd.s32 $0xFFFFD800  }
.LBB2_1:
0xb2: {  	s28 =	simm.s32 $0x0;
	s10 =	simm.s32 $0x200  }
.LBB2_2:
0xb3: {  	p1 =	sne.s32 s10, $0xFE00;
	[tilespmem:s28+$0x3070] =	vst v0  }
0xb4: {  	[tilespmem:s28+$0x3000] =	vst v0  }
0xb5: {  	[tilespmem:s28+$0x3010] =	vst v0  }
.Ltmp2:
0xb6: {  	[tilespmem:s28+$0x3020] =	vst v0;
	(pc) =	sbr.rel @p1 .LBB2_2-.Ltmp2, $4  }
0xb7: {  	[tilespmem:s28+$0x3030] =	vst v0  }
0xb8: {  	[tilespmem:s28+$0x3040] =	vst v0  }
0xb9: {  	[tilespmem:s28+$0x3050] =	vst v0  }
0xba: {  	[tilespmem:s28+$0x3060] =	vst v0;
	s28 =	sshra.s32 s10, $0x2;
	s10 =	sadd.s32 $0x200, s10  }
0xbb: {  	[tilespmem:s28+$0x3070] =	vst v0  }
0xbc: {  	[tilespmem:s28+$0x3000] =	vst v0  }
0xbd: {  	[tilespmem:s28+$0x3010] =	vst v0  }
0xbe: {  	[tilespmem:s28+$0x3020] =	vst v0  }
0xbf: {  	[tilespmem:s28+$0x3030] =	vst v0  }
0xc0: {  	[tilespmem:s28+$0x3040] =	vst v0  }
0xc1: {  	[tilespmem:s28+$0x3050] =	vst v0  }
0xc2: {  	[tilespmem:s28+$0x3060] =	vst v0  }
0xc3: {  	[spmem:s5] =	stream.linear.scatter [tilespmem:s20], [sflag:$0x3], $0x4000, $0x38;
	[tilespmem:$0x1F000] =	vst v63  }
0xc4: {  	_ =	swait.ge [sflag:s21], $0x4000  }
0xc5: {  	[sflag:s21] =	ssyncset.done $0x0  }
0xc6: {  	[sflag:s21] =	ssyncadd.s32 $0xFFFFC000  }
0xc7: {  	[spmem:s6] =	stream.linear.scatter [tilespmem:s20], [sflag:$0x3], $0x4000, $0x38;
	[tilespmem:$0x1F000] =	vst v63  }
0xc8: {  	_ =	swait.ge [sflag:s21], $0x4000  }
0xc9: {  	[sflag:s21] =	ssyncset.done $0x0  }
0xca: {  	[sflag:s21] =	ssyncadd.s32 $0xFFFFC000  }
0xcb: {  	[spmem:s7] =	stream.linear.scatter [tilespmem:s20], [sflag:$0x3], $0x4000, $0x38;
	[tilespmem:$0x1F000] =	vst v63  }
0xcc: {  	_ =	swait.ge [sflag:s21], $0x4000  }
0xcd: {  	[sflag:s21] =	ssyncset.done $0x0  }
0xce: {  	[sflag:s21] =	ssyncadd.s32 $0xFFFFC000  }
0xcf: {  	[spmem:s8] =	stream.linear.scatter [tilespmem:s20], [sflag:$0x3], $0x4000, $0x38;
	[tilespmem:$0x1F000] =	vst v63  }
0xd0: {  	_ =	swait.ge [sflag:s21], $0x4000  }
0xd1: {  	[sflag:s21] =	ssyncset.done $0x0  }
0xd2: {  	[sflag:s21] =	ssyncadd.s32 $0xFFFFC000  }
0xd3: {  	[spmem:s9] =	stream.linear.scatter [tilespmem:s20], [sflag:$0x3], $0x4000, $0x38;
	[tilespmem:$0x1F000] =	vst v63  }
.Ltmp3:
0xd4: {  	_ =	swait.ge [sflag:s21], $0x4000;
	(pc) =	sbr.rel @p0 .LBB2_11-.Ltmp3, $3  }
0xd5: {  	[sflag:s21] =	ssyncset.done $0x0  }
0xd6: {  	[sflag:s21] =	ssyncadd.s32 $0xFFFFC000  }
0xd7: {  	[bflag:$0x0] =	sbarrier.arrive $0xFFFF;
	_ =	sdelay $0x1  }
0xd8: {  	s10 =	simm.s32 $0x0;
	s11 =	rddreg [dreg:$0x4]  }
0xd9: {  	[tilespmem:s10], [sflag:$0x3] =	stream.linear.gather [hbm4b:s11+s10], $0x1800, $0x38;
	[tilespmem:$0x1F000] =	vst v63  }
0xda: {  	_ =	swait.ge [sflag:s21], $0x1800  }
0xdb: {  	[sflag:s21] =	ssyncset.done $0x0  }
0xdc: {  	s11 =	rddreg [dreg:$0x5];
	[sflag:s21] =	ssyncadd.s32 $0xFFFFE800  }
0xdd: {  	[tilespmem:s22], [sflag:$0x3] =	stream.linear.gather [hbm4b:s11+s10], $0x1800, $0x38;
	[tilespmem:$0x1F000] =	vst v63  }
0xde: {  	_ =	swait.ge [sflag:s21], $0x1800  }
0xdf: {  	[sflag:s21] =	ssyncset.done $0x0  }
0xe0: {  	[sflag:s21] =	ssyncadd.s32 $0xFFFFE800  }
0xe1: {  	[tilespmem:s20], [sflag:$0x1] =	stream.indirect.gather [hbm4b:s4+s23], $0x80, s10, s23, $0xb8;
	[tilespmem:$0x1F000] =	vst v63  }
0xe2: {  	_ =	swait.ge [sflag:s24], $0x4000  }
0xe3: {  	[sflag:s24] =	ssyncset.done $0x0  }
0xe4: {  	s11 =	simm.s32 $0x80;
	[sflag:s24] =	ssyncadd.s32 $0xFFFFC000  }
0xe5: {  	[tilespmem:s25], [sflag:$0x2] =	stream.indirect.gather [hbm4b:s4+s23], $0x80, s11, s23, $0xb8;
	[tilespmem:$0x1F000] =	vst v63  }
0xe6: {  	s11 =	simm.s32 $0x1800  }
0xe7: {  	[spmem:s1] =	stream.indirect.scatter.add.f32 [tilespmem:s20], [sflag:$0x3], $0x80, s11, s23, $0xb8;
	[tilespmem:$0x1F000] =	vst v63  }
0xe8: {  	_ =	swait.ge [sflag:s21], $0x4000  }
0xe9: {  	[sflag:s21] =	ssyncset.done $0x0  }
0xea: {  	[sflag:s21] =	ssyncadd.s32 $0xFFFFC000  }
0xeb: {  	_ =	swait.ge [sflag:s26], $0x4000  }
0xec: {  	[sflag:s26] =	ssyncset.done $0x0  }
0xed: {  	s11 =	simm.s32 $0x100;
	[sflag:s26] =	ssyncadd.s32 $0xFFFFC000  }
0xee: {  	[tilespmem:s20], [sflag:$0x1] =	stream.indirect.gather [hbm4b:s4+s23], $0x80, s11, s23, $0xb8;
	[tilespmem:$0x1F000] =	vst v63  }
0xef: {  	s11 =	simm.s32 $0x1880  }
0xf0: {  	[spmem:s1] =	stream.indirect.scatter.add.f32 [tilespmem:s25], [sflag:$0x3], $0x80, s11, s23, $0xb8;
	[tilespmem:$0x1F000] =	vst v63  }
0xf1: {  	_ =	swait.ge [sflag:s21], $0x4000  }
0xf2: {  	s28 =	simm.s32 $0x400;
	[sflag:s21] =	ssyncset.done $0x0  }
.LBB2_5:
0xf3: {  	p1 =	sne.s32 s28, $0x5800  }
0xf4: {  	[sflag:s21] =	ssyncadd.s32 $0xFFFFC000;
	s10 =	smov.u32 s28;
	s28 =	sadd.s32 $0x400, s28  }
0xf5: {  	_ = 	snop  }
0xf6: {  	_ =	swait.ge [sflag:s24], $0x4000  }
0xf7: {  	s10 =	sshra.s32 s10, $0x2;
	[sflag:s24] =	ssyncset.done $0x0  }
0xf8: {  	s11 =	sadd.s32 $0x80, s10;
	[sflag:s24] =	ssyncadd.s32 $0xFFFFC000  }
0xf9: {  	[tilespmem:s25], [sflag:$0x2] =	stream.indirect.gather [hbm4b:s4+s23], $0x80, s11, s23, $0xb8;
	[tilespmem:$0x1F000] =	vst v63  }
0xfa: {  	s11 =	sadd.s32 $0x1800, s10  }
0xfb: {  	[spmem:s1] =	stream.indirect.scatter.add.f32 [tilespmem:s20], [sflag:$0x3], $0x80, s11, s23, $0xb8;
	[tilespmem:$0x1F000] =	vst v63  }
0xfc: {  	_ =	swait.ge [sflag:s21], $0x4000  }
0xfd: {  	[sflag:s21] =	ssyncset.done $0x0  }
0xfe: {  	[sflag:s21] =	ssyncadd.s32 $0xFFFFC000  }
0xff: {  	_ =	swait.ge [sflag:s26], $0x4000  }
0x100: {  	[sflag:s26] =	ssyncset.done $0x0  }
0x101: {  	s11 =	sadd.s32 $0x100, s10;
	[sflag:s26] =	ssyncadd.s32 $0xFFFFC000  }
0x102: {  	[tilespmem:s20], [sflag:$0x1] =	stream.indirect.gather [hbm4b:s4+s23], $0x80, s11, s23, $0xb8;
	[tilespmem:$0x1F000] =	vst v63  }
.Ltmp4:
0x103: {  	_ = 	snop;
	(pc) =	sbr.rel @p1 .LBB2_5-.Ltmp4, $4  }
0x104: {  	s10 =	sadd.s32 $0x1880, s10  }
0x105: {  	[spmem:s1] =	stream.indirect.scatter.add.f32 [tilespmem:s25], [sflag:$0x3], $0x80, s10, s23, $0xb8;
	[tilespmem:$0x1F000] =	vst v63  }
0x106: {  	_ =	swait.ge [sflag:s21], $0x4000  }
0x107: {  	[sflag:s21] =	ssyncset.done $0x0  }
0x108: {  	[sflag:s21] =	ssyncadd.s32 $0xFFFFC000  }
0x109: {  	_ =	swait.ge [sflag:s24], $0x4000  }
0x10a: {  	[sflag:s24] =	ssyncset.done $0x0  }
0x10b: {  	[sflag:s24] =	ssyncadd.s32 $0xFFFFC000  }
0x10c: {  	[tilespmem:s25], [sflag:$0x2] =	stream.indirect.gather [hbm4b:s4+s23], $0x80, s29, s23, $0xb8;
	[tilespmem:$0x1F000] =	vst v63  }
0x10d: {  	_ = 	snop  }
0x10e: {  	[spmem:s1] =	stream.indirect.scatter.add.f32 [tilespmem:s20], [sflag:$0x3], $0x80, s30, s23, $0xb8;
	[tilespmem:$0x1F000] =	vst v63  }
0x10f: {  	_ =	swait.ge [sflag:s21], $0x4000  }
0x110: {  	[sflag:s21] =	ssyncset.done $0x0  }
0x111: {  	[sflag:s21] =	ssyncadd.s32 $0xFFFFC000  }
0x112: {  	_ =	swait.ge [sflag:s26], $0x4000  }
0x113: {  	[sflag:s26] =	ssyncset.done $0x0  }
0x114: {  	[sflag:s26] =	ssyncadd.s32 $0xFFFFC000  }
0x115: {  	[spmem:s1] =	stream.indirect.scatter.add.f32 [tilespmem:s25], [sflag:$0x3], $0x80, s31, s23, $0xb8;
	[tilespmem:$0x1F000] =	vst v63  }
0x116: {  	_ =	swait.ge [sflag:s21], $0x4000  }
0x117: {  	[sflag:s21] =	ssyncset.done $0x0  }
0x118: {  	s10 =	simm.s32 $0x0;
	[sflag:s21] =	ssyncadd.s32 $0xFFFFC000  }
0x119: {  	[tilespmem:s10], [sflag:$0x3] =	stream.linear.gather [hbm4b:s12+s10], $0x1800, $0x38;
	[tilespmem:$0x1F000] =	vst v63  }
0x11a: {  	_ =	swait.ge [sflag:s21], $0x1800  }
0x11b: {  	[sflag:s21] =	ssyncset.done $0x0  }
0x11c: {  	[sflag:s21] =	ssyncadd.s32 $0xFFFFE800  }
0x11d: {  	[tilespmem:s22], [sflag:$0x3] =	stream.linear.gather [hbm4b:s13+s10], $0x1800, $0x38;
	[tilespmem:$0x1F000] =	vst v63  }
0x11e: {  	_ =	swait.ge [sflag:s21], $0x1800  }
0x11f: {  	[sflag:s21] =	ssyncset.done $0x0  }
0x120: {  	[sflag:s21] =	ssyncadd.s32 $0xFFFFE800  }
0x121: {  	[tilespmem:s20], [sflag:$0x1] =	stream.indirect.gather [hbm4b:s4+s23], $0x80, s10, s23, $0xb8;
	[tilespmem:$0x1F000] =	vst v63  }
0x122: {  	_ =	swait.ge [sflag:s24], $0x4000  }
0x123: {  	[sflag:s24] =	ssyncset.done $0x0  }
0x124: {  	s11 =	simm.s32 $0x80;
	[sflag:s24] =	ssyncadd.s32 $0xFFFFC000  }
0x125: {  	[tilespmem:s25], [sflag:$0x2] =	stream.indirect.gather [hbm4b:s4+s23], $0x80, s11, s23, $0xb8;
	[tilespmem:$0x1F000] =	vst v63  }
0x126: {  	s11 =	simm.s32 $0x1800  }
0x127: {  	[spmem:s1] =	stream.indirect.scatter.add.f32 [tilespmem:s20], [sflag:$0x3], $0x80, s11, s23, $0xb8;
	[tilespmem:$0x1F000] =	vst v63  }
0x128: {  	_ =	swait.ge [sflag:s21], $0x4000  }
0x129: {  	[sflag:s21] =	ssyncset.done $0x0  }
0x12a: {  	[sflag:s21] =	ssyncadd.s32 $0xFFFFC000  }
0x12b: {  	_ =	swait.ge [sflag:s26], $0x4000  }
0x12c: {  	[sflag:s26] =	ssyncset.done $0x0  }
0x12d: {  	s11 =	simm.s32 $0x100;
	[sflag:s26] =	ssyncadd.s32 $0xFFFFC000  }
0x12e: {  	[tilespmem:s20], [sflag:$0x1] =	stream.indirect.gather [hbm4b:s4+s23], $0x80, s11, s23, $0xb8;
	[tilespmem:$0x1F000] =	vst v63  }
0x12f: {  	s11 =	simm.s32 $0x1880  }
0x130: {  	[spmem:s1] =	stream.indirect.scatter.add.f32 [tilespmem:s25], [sflag:$0x3], $0x80, s11, s23, $0xb8;
	[tilespmem:$0x1F000] =	vst v63  }
0x131: {  	_ =	swait.ge [sflag:s21], $0x4000  }
0x132: {  	s28 =	simm.s32 $0x400;
	[sflag:s21] =	ssyncset.done $0x0  }
.LBB2_7:
0x133: {  	p1 =	sne.s32 s28, $0x5800  }
0x134: {  	[sflag:s21] =	ssyncadd.s32 $0xFFFFC000;
	s10 =	smov.u32 s28;
	s28 =	sadd.s32 $0x400, s28  }
0x135: {  	_ = 	snop  }
0x136: {  	_ =	swait.ge [sflag:s24], $0x4000  }
0x137: {  	s10 =	sshra.s32 s10, $0x2;
	[sflag:s24] =	ssyncset.done $0x0  }
0x138: {  	s11 =	sadd.s32 $0x80, s10;
	[sflag:s24] =	ssyncadd.s32 $0xFFFFC000  }
0x139: {  	[tilespmem:s25], [sflag:$0x2] =	stream.indirect.gather [hbm4b:s4+s23], $0x80, s11, s23, $0xb8;
	[tilespmem:$0x1F000] =	vst v63  }
0x13a: {  	s11 =	sadd.s32 $0x1800, s10  }
0x13b: {  	[spmem:s1] =	stream.indirect.scatter.add.f32 [tilespmem:s20], [sflag:$0x3], $0x80, s11, s23, $0xb8;
	[tilespmem:$0x1F000] =	vst v63  }
0x13c: {  	_ =	swait.ge [sflag:s21], $0x4000  }
0x13d: {  	[sflag:s21] =	ssyncset.done $0x0  }
0x13e: {  	[sflag:s21] =	ssyncadd.s32 $0xFFFFC000  }
0x13f: {  	_ =	swait.ge [sflag:s26], $0x4000  }
0x140: {  	[sflag:s26] =	ssyncset.done $0x0  }
0x141: {  	s11 =	sadd.s32 $0x100, s10;
	[sflag:s26] =	ssyncadd.s32 $0xFFFFC000  }
0x142: {  	[tilespmem:s20], [sflag:$0x1] =	stream.indirect.gather [hbm4b:s4+s23], $0x80, s11, s23, $0xb8;
	[tilespmem:$0x1F000] =	vst v63  }
.Ltmp5:
0x143: {  	_ = 	snop;
	(pc) =	sbr.rel @p1 .LBB2_7-.Ltmp5, $4  }
0x144: {  	s10 =	sadd.s32 $0x1880, s10  }
0x145: {  	[spmem:s1] =	stream.indirect.scatter.add.f32 [tilespmem:s25], [sflag:$0x3], $0x80, s10, s23, $0xb8;
	[tilespmem:$0x1F000] =	vst v63  }
0x146: {  	_ =	swait.ge [sflag:s21], $0x4000  }
0x147: {  	[sflag:s21] =	ssyncset.done $0x0  }
0x148: {  	[sflag:s21] =	ssyncadd.s32 $0xFFFFC000  }
0x149: {  	_ =	swait.ge [sflag:s24], $0x4000  }
0x14a: {  	[sflag:s24] =	ssyncset.done $0x0  }
0x14b: {  	[sflag:s24] =	ssyncadd.s32 $0xFFFFC000  }
0x14c: {  	[tilespmem:s25], [sflag:$0x2] =	stream.indirect.gather [hbm4b:s4+s23], $0x80, s29, s23, $0xb8;
	[tilespmem:$0x1F000] =	vst v63  }
0x14d: {  	_ = 	snop  }
0x14e: {  	[spmem:s1] =	stream.indirect.scatter.add.f32 [tilespmem:s20], [sflag:$0x3], $0x80, s30, s23, $0xb8;
	[tilespmem:$0x1F000] =	vst v63  }
0x14f: {  	_ =	swait.ge [sflag:s21], $0x4000  }
0x150: {  	[sflag:s21] =	ssyncset.done $0x0  }
0x151: {  	[sflag:s21] =	ssyncadd.s32 $0xFFFFC000  }
0x152: {  	_ =	swait.ge [sflag:s26], $0x4000  }
0x153: {  	[sflag:s26] =	ssyncset.done $0x0  }
0x154: {  	[sflag:s26] =	ssyncadd.s32 $0xFFFFC000  }
0x155: {  	[spmem:s1] =	stream.indirect.scatter.add.f32 [tilespmem:s25], [sflag:$0x3], $0x80, s31, s23, $0xb8;
	[tilespmem:$0x1F000] =	vst v63  }
0x156: {  	_ =	swait.ge [sflag:s21], $0x4000  }
0x157: {  	[sflag:s21] =	ssyncset.done $0x0  }
0x158: {  	s28 =	simm.s32 $0x0;
	[sflag:s21] =	ssyncadd.s32 $0xFFFFC000  }
0x159: {  	[tilespmem:s28], [sflag:$0x3] =	stream.linear.gather [hbm4b:s14+s28], $0x1800, $0x38;
	[tilespmem:$0x1F000] =	vst v63  }
0x15a: {  	_ =	swait.ge [sflag:s21], $0x1800  }
0x15b: {  	[sflag:s21] =	ssyncset.done $0x0  }
0x15c: {  	[sflag:s21] =	ssyncadd.s32 $0xFFFFE800  }
0x15d: {  	[tilespmem:s22], [sflag:$0x3] =	stream.linear.gather [hbm4b:s15+s28], $0x1800, $0x38;
	[tilespmem:$0x1F000] =	vst v63  }
0x15e: {  	_ =	swait.ge [sflag:s21], $0x1800  }
0x15f: {  	[sflag:s21] =	ssyncset.done $0x0  }
0x160: {  	[sflag:s21] =	ssyncadd.s32 $0xFFFFE800  }
0x161: {  	[tilespmem:s20], [sflag:$0x1] =	stream.indirect.gather [hbm4b:s4+s23], $0x80, s28, s23, $0xb8;
	[tilespmem:$0x1F000] =	vst v63  }
.LBB2_9:
0x162: {  	_ =	swait.ge [sflag:s24], $0x4000  }
0x163: {  	s10 =	sshra.s32 s28, $0x2;
	[sflag:s24] =	ssyncset.done $0x0  }
0x164: {  	s11 =	sadd.s32 $0x80, s10;
	[sflag:s24] =	ssyncadd.s32 $0xFFFFC000  }
0x165: {  	[tilespmem:s25], [sflag:$0x2] =	stream.indirect.gather [hbm4b:s4+s23], $0x80, s11, s23, $0xb8;
	[tilespmem:$0x1F000] =	vst v63  }
0x166: {  	s11 =	sadd.s32 $0x1800, s10  }
0x167: {  	[spmem:s1] =	stream.indirect.scatter.add.f32 [tilespmem:s20], [sflag:$0x3], $0x80, s11, s23, $0xb8;
	[tilespmem:$0x1F000] =	vst v63  }
0x168: {  	_ =	swait.ge [sflag:s21], $0x4000  }
0x169: {  	[sflag:s21] =	ssyncset.done $0x0  }
0x16a: {  	[sflag:s21] =	ssyncadd.s32 $0xFFFFC000  }
0x16b: {  	_ =	swait.ge [sflag:s26], $0x4000  }
0x16c: {  	[sflag:s26] =	ssyncset.done $0x0  }
0x16d: {  	p1 =	seq.s32 s28, $0x5800;
	s11 =	sadd.s32 $0x100, s10;
	[sflag:s26] =	ssyncadd.s32 $0xFFFFC000  }
0x16e: {  	[tilespmem:s20], [sflag:$0x1] =	stream.indirect.gather [hbm4b:s4+s23], $0x80, s11, s23, $0xb8;
	[tilespmem:$0x1F000] =	vst v63  }
.Ltmp6:
0x16f: {  	s10 =	sadd.s32 $0x1880, s10;
	(pc) =	sbr.rel @!p1 .LBB2_9-.Ltmp6, $4  }
0x170: {  	[spmem:s1] =	stream.indirect.scatter.add.f32 [tilespmem:s25], [sflag:$0x3], $0x80, s10, s23, $0xb8;
	[tilespmem:$0x1F000] =	vst v63  }
0x171: {  	_ =	swait.ge [sflag:s21], $0x4000  }
0x172: {  	[sflag:s21] =	ssyncset.done $0x0  }
0x173: {  	s28 =	sadd.s32 $0x400, s28;
	[sflag:s21] =	ssyncadd.s32 $0xFFFFC000  }
.Ltmp7:
0x174: {  	(pc) =	sbr.rel .LBB2_12-.Ltmp7, $2  }
0x175: {  	_ =	sdelay $0x2  }
0x176: {  	s10 =	simm.s32 $0x2F80;
	s28 =	simm.s32 $0x2F00;
	s11 =	simm.s32 $0x1780  }
.LBB2_13:
0x177: {  	_ =	sfence.sel $0x180000  }
0x178: {  	[bflag:$0x0] =	sbarrier.arrive $0xFFFF  }
0x179: {  	_ =	strace $0x9000004A  }
0x17a: {  	[bflag:$0x2] =	sbarrier.arrive $0xFFFF  }
0x17b: {  	p0 =	sne.s32 s2, $0x0;
	s0 =	rddreg [dreg:$0x3]  }
0x17c: {  	s0 =	sadd.s32 @!p0 $0x100000, s0  }
0x17d: {  	[sflag:s0] =	ssyncadd.tile.s32 @!p0 $0x1;
	_ =	shalt  }
.Lfunc_end2:
_tile_overlayer_lowered:
.L_overlay_start_2:
0x17e: {  	(tag) =	ssettag $0x2  }
0x17f: {  	s0 =	rddreg [dreg:$0x0];
	s2 =	stileid.u32  }
0x180: {  	s1 =	rddreg [dreg:$0x1];
	p0 =	sne.s32 s2, $0x0  }
0x181: {  	s3 =	rddreg [dreg:$0x2];
	[bflag:$0x3] =	sbarrier.arrive $0xFFFF;
	s2 =	simm.s32 @!p0 $0x1C03  }
0x182: {  	[timem:s3], [sflag:s2] =	dma.local @!p0 [hbm:s0], s1  }
0x183: {  	s0 =	simm.s32 @!p0 $0x3  }
0x184: {  	_ =	swait.ge @!p0 [sflag:s0], s1  }
0x185: {  	s1 =	ssub.s32 @!p0 $0x0, s1;
	[sflag:s0] =	ssyncset.done @!p0 $0x0  }
0x186: {  	[sflag:s0] =	ssyncadd.s32 @!p0 s1  }
0x187: {  	[bflag:$0x3] =	sbarrier.arrive $0xFFFF  }
0x188: {  	_ =	shalt  }

// kernel: kernel.8.cloned.1.call-start
scs
__scs_entry_jumppad:
0x0: {  	(pc) =	sbr.rel $0x88, $3  }
0x1: {  	(tag) =	ssettag $0x0;
	lr =	simm.s32 $0x1  }
0x2: {  	[smem:$0x3F9B] =	sst lr;
	_ =	strace $0xD0000000  }
0x3: {  	_ = 	snop  }
0x4: {  	_ = 	snop  }
0x5: {  	_ = 	snop  }
0x6: {  	_ = 	snop  }
0x7: {  	_ = 	snop  }
__scs_overlays_trampoline_lowered:
0x8: {  	[smem:$0x3FAA] =	sst s0  }
0x9: {  	[smem:$0x3FAB] =	sst s1  }
0xa: {  	[smem:$0x3FAC] =	sst s2  }
0xb: {  	[smem:$0x3FAD] =	sst s3  }
0xc: {  	[smem:$0x3FAE] =	sst s4  }
0xd: {  	[smem:$0x3FAF] =	sst s5  }
0xe: {  	[smem:$0x3FB0] =	sst s6  }
0xf: {  	[smem:$0x3FB1] =	sst s7  }
0x10: {  	[smem:$0x3FB2] =	sst s8  }
0x11: {  	[smem:$0x3FB3] =	sst s9;
	s0 =	simm.s32 @!p0 $0x0  }
0x12: {  	s1 =	sld [smem:$0x3F99];
	s0 =	simm.s32 @p0 $0x1  }
0x13: {  	[smem:$0x3FB4] =	sst s0;
	s0 =	simm.s32 @!p1 $0x0  }
0x14: {  	s2 =	sld [smem:$0x3F98];
	s0 =	simm.s32 @p1 $0x1  }
0x15: {  	[smem:$0x3FB5] =	sst s0;
	s0 =	simm.s32 @!p2 $0x0  }
0x16: {  	s3 =	sld [smem:$0x3FDB];
	s0 =	simm.s32 @p2 $0x1  }
0x17: {  	s4 =	simm.s32 $0x1BF5;
	[smem:$0x3FB7] =	sst s0  }
0x18: {  	s0 =	sld [smem:$0x3F9A];
	_ =	swait.ge [sflag:s4], $0x0  }
0x19: {  	s7 =	sld [smem:$0x3F9B]  }
0x1a: {  	s8 =	sadd.s32 $0xFFFFE003, lr  }
0x1b: {  	s9 =	sadd.s32 $0xFFFFFEF7, lr;
	s5 =	simm.s32 $0xFFFFFFFF;
	p2 =	slt.u32 s8, $0xFFFFF086  }
0x1c: {  	p1 =	slt.u32 s9, $0xF7A;
	s5 =	simm.s32 @!p2 $0x0  }
0x1d: {  	s5 =	simm.s32 @p1 $0x1;
	p0 =	seq.s32 s7, s2  }
0x1e: {  	s7 =	smul.u32 @!p0 $0xF7A, s2;
	p2 =	seq.s32 @!p0 s5, $0x0  }
0x1f: {  	s9 =	smul.u32 $0xF7A, s1;
	s8 =	simm.s32 @!p0 $0x1BF5;
	p2 =	por !p2, p0  }
0x20: {  	[sflag:s8] =	ssyncset.s32 @!p0 $0xFFFFF086;
	s6 =	sadd.s32 @!p0 s3, s7;
	s7 =	simm.s32 @!p0 $0x108  }
0x21: {  	s3 =	sadd.s32 s3, s9;
	s6 =	sadd.s32 @!p0 $0x88, s6;
	s7 =	simm.s32 @p2 $0x1082  }
0x22: {  	[simem:s7], [sflag:s8] =	dma.local @!p0 [hbm:s6], $0xF7A  }
0x23: {  	s9 =	sor.u32 $0xD0000000, s2;
	s6 =	simm.s32 $0x108;
	_ =	swait.ge @!p0 [sflag:s8], $0x0  }
0x24: {  	s3 =	sadd.s32 $0x88, s3;
	s6 =	simm.s32 @!p1 $0x1082;
	[sflag:s4] =	ssyncset.s32 $0xFFFFF086  }
0x25: {  	[simem:s6], [sflag:s4] =	dma.local [hbm:s3], $0xF7A  }
0x26: {  	[smem:$0x3F9B] =	sst s1;
	(tag) =	ssettag s2;
	_ =	strace s9  }
0x27: {  	s1 =	sld [smem:$0x3FAB]  }
0x28: {  	s2 =	sld [smem:$0x3FAC]  }
0x29: {  	s4 =	sld [smem:$0x3FAE]  }
0x2a: {  	p0 =	seq.s32 s5, $0x0;
	s5 =	sld [smem:$0x3FAF]  }
0x2b: {  	s6 =	sld [smem:$0x3FB0]  }
0x2c: {  	s7 =	sld [smem:$0x3FB1]  }
0x2d: {  	s3 =	simm.s32 $0x108;
	s8 =	sld [smem:$0x3FB2]  }
0x2e: {  	s3 =	simm.s32 @!p0 $0x1082;
	s9 =	sld [smem:$0x3FB3]  }
0x2f: {  	lr =	sadd.s32 s0, s3;
	s0 =	sld [smem:$0x3FAA]  }
0x30: {  	s3 =	sld [smem:$0x3FAD]  }
0x31: {  	[smem:$0x3FB6] =	sst s10  }
0x32: {  	s10 =	sld [smem:$0x3FB4];
	_ =	sdelay $0x3  }
0x33: {  	p0 =	seq.s32 s10, $0x1;
	s10 =	sld [smem:$0x3FB6];
	_ =	sdelay $0x3  }
0x34: {  	[smem:$0x3FB6] =	sst s10  }
0x35: {  	s10 =	sld [smem:$0x3FB5];
	_ =	sdelay $0x3  }
0x36: {  	p1 =	seq.s32 s10, $0x1;
	s10 =	sld [smem:$0x3FB6];
	_ =	sdelay $0x3  }
0x37: {  	[smem:$0x3FB6] =	sst s10  }
0x38: {  	s10 =	sld [smem:$0x3FB7]  }
0x39: {  	_ = 	snop;
	(pc) =	sbr.ind lr, $3  }
0x3a: {  	_ = 	snop  }
0x3b: {  	_ = 	snop  }
0x3c: {  	p2 =	seq.s32 s10, $0x1;
	s10 =	sld [smem:$0x3FB6]  }
0x3d: {  	_ =	shalt  }
0x3e: {  	_ =	shalt  }
0x3f: {  	_ =	shalt  }
0x40: {  	_ =	shalt  }
0x41: {  	_ =	shalt  }
0x42: {  	_ =	shalt  }
0x43: {  	_ =	shalt  }
0x44: {  	_ =	shalt  }
0x45: {  	_ =	shalt  }
0x46: {  	_ =	shalt  }
0x47: {  	_ =	shalt  }
0x48: {  	_ =	shalt  }
0x49: {  	_ =	shalt  }
0x4a: {  	_ =	shalt  }
0x4b: {  	_ =	shalt  }
0x4c: {  	_ =	shalt  }
0x4d: {  	_ =	shalt  }
0x4e: {  	_ =	shalt  }
0x4f: {  	_ =	shalt  }
0x50: {  	_ =	shalt  }
0x51: {  	_ =	shalt  }
0x52: {  	_ =	shalt  }
0x53: {  	_ =	shalt  }
0x54: {  	_ =	shalt  }
0x55: {  	_ =	shalt  }
0x56: {  	_ =	shalt  }
0x57: {  	_ =	shalt  }
0x58: {  	_ =	shalt  }
0x59: {  	_ =	shalt  }
0x5a: {  	_ =	shalt  }
0x5b: {  	_ =	shalt  }
0x5c: {  	_ =	shalt  }
0x5d: {  	_ =	shalt  }
0x5e: {  	_ =	shalt  }
0x5f: {  	_ =	shalt  }
0x60: {  	_ =	shalt  }
0x61: {  	_ =	shalt  }
0x62: {  	_ =	shalt  }
0x63: {  	_ =	shalt  }
0x64: {  	_ =	shalt  }
0x65: {  	_ =	shalt  }
0x66: {  	_ =	shalt  }
0x67: {  	_ =	shalt  }
0x68: {  	_ =	shalt  }
0x69: {  	_ =	shalt  }
0x6a: {  	_ =	shalt  }
0x6b: {  	_ =	shalt  }
0x6c: {  	_ =	shalt  }
0x6d: {  	_ =	shalt  }
0x6e: {  	_ =	shalt  }
0x6f: {  	_ =	shalt  }
0x70: {  	_ =	shalt  }
0x71: {  	_ =	shalt  }
0x72: {  	_ =	shalt  }
0x73: {  	_ =	shalt  }
0x74: {  	_ =	shalt  }
0x75: {  	_ =	shalt  }
0x76: {  	_ =	shalt  }
0x77: {  	_ =	shalt  }
0x78: {  	_ =	shalt  }
0x79: {  	_ =	shalt  }
0x7a: {  	_ =	shalt  }
0x7b: {  	_ =	shalt  }
0x7c: {  	_ =	shalt  }
0x7d: {  	_ =	shalt  }
0x7e: {  	_ =	shalt  }
0x7f: {  	_ =	shalt  }
0x80: {  	_ =	shalt  }
0x81: {  	_ =	shalt  }
0x82: {  	_ =	shalt  }
0x83: {  	_ =	shalt  }
0x84: {  	_ =	shalt  }
0x85: {  	_ =	shalt  }
0x86: {  	_ =	shalt  }
0x87: {  	_ =	shalt  }
.Lfunc_end0:
.L_simem_size_0:
called_computation_lowered:
.L_overlay_start_0:
0x88: {  	s2 =	sld [smem:$0x3FD9]  }
0x89: {  	s3 =	sld [smem:$0x3FFE];
	_ =	sdelay $0x1  }
0x8a: {  	s1 =	srdreg.scid  }
0x8b: {  	s0 =	sand.u32 $0x1, s1  }
0x8c: {  	s16 =	sshll.u32 s0, $0xA;
	s2 =	sadd.s32 s3, s2  }
0x8d: {  	s2 =	sadd.s32 s2, s16  }
0x8e: {  	[smem:$0x3FC2] =	sst s2  }
0x8f: {  	_ = 	snop  }
0x90: {  	(tm) =	ssettm $0x1  }
0x91: {  	s17 =	sld [smem:$0x3FFB];
	_ =	sdelay $0x3  }
0x92: {  	_ =	strace s17  }
0x93: {  	s2 =	sld [smem:$0x3FFC];
	_ =	sdelay $0x3  }
0x94: {  	_ =	strace s2  }
0x95: {  	s2 =	sld [smem:$0x3FFD];
	_ =	sdelay $0x3  }
0x96: {  	_ =	strace s2  }
0x97: {  	_ =	strace $0x8FFFFFFF  }
0x98: {  	s18 =	sld [smem:$0x3FDB];
	_ =	sdelay $0x1  }
0x99: {  	s19 =	simm.s32 $_scs_section_size  }
0x9a: {  	s4 =	simm.s32 $_size__tile_overlayer_lowered;
	s5 =	simm.s32 $_tile_overlayer_lowered  }
0x9b: {  	s22 =	simm.s32 $0x1BFF;
	s21 =	sshll.u32 s5, $0x1;
	s2 =	sadd.s32 s19, s18  }
0x9c: {  	s6 =	simm.s32 $0x0;
	s20 =	sshll.u32 s4, $0x1;
	s4 =	sadd.s32 s21, s2  }
0x9d: {  	[timem:s6], [sflag:s22] =	dma.local [hbm:s4], s20  }
0x9e: {  	_ =	swait.ge [sflag:s22], s20  }
0x9f: {  	s3 =	ssub.s32 $0x0, s20;
	[sflag:s22] =	ssyncset.done $0x0  }
0xa0: {  	[sflag:s22] =	ssyncadd.s32 s3;
	_ =	sdelay $0x1  }
0xa1: {  	s23 =	simm.s32 $0x1B8B  }
0xa2: {  	_ =	swait.ge [sflag:s23], $0x1  }
0xa3: {  	[sflag:s23] =	ssyncset.done $0x0  }
0xa4: {  	s25 =	simm.s32 $0x1B8E;
	s24 =	sld [smem:$0x3FFE];
	[sflag:s23] =	ssyncadd.s32 $0xFFFFFFFF  }
0xa5: {  	s26 =	simm.s32 $execute0_lowered;
	[smem:$0x3FD2] =	sst s25  }
0xa6: {  	s4 =	sshll.u32 s26, $0x1;
	_ =	strace $0x80000046;
	[dreg:$0x1] =	wrdreg $0xFFFFFFFF  }
0xa7: {  	s28 =	simm.s32 $_size_execute0_lowered;
	s2 =	sadd.s32 s2, s4;
	[dreg:$0x0] =	wrdreg $0x0  }
0xa8: {  	s4 =	sshll.u32 s28, $0x1;
	[dreg:$0x2] =	wrdreg s2  }
0xa9: {  	[dreg:$0x3] =	wrdreg s4  }
0xaa: {  	[dreg:$0x4] =	wrdreg $0xC0  }
0xab: {  	_ =	task [dreg:s6], $0x5FFFF  }
0xac: {  	[dreg:$0x1] =	wrdreg $0xFFFFFFFF  }
0xad: {  	[dreg:$0x0] =	wrdreg $0x60  }
0xae: {  	[dreg:$0x2] =	wrdreg s24  }
0xaf: {  	[dreg:$0x3] =	wrdreg $0x9  }
0xb0: {  	_ =	task.clear_ibuf [dreg:s6], $0x4FFFF;
	_ =	strace $0x90000046  }
0xb1: {  	s29 =	simm.s32 $0x9;
	_ =	strace $0x80000048  }
0xb2: {  	_ =	swait.ge [sflag:s29], $0x1  }
0xb3: {  	[sflag:s29] =	ssyncadd.s32 $0xFFFFFFFF  }
0xb4: {  	_ =	strace $0x90000048  }
0xb5: {  	_ =	sfence  }
0xb6: {  	s30 =	sld [smem:$0x0];
	_ =	sdelay $0x2  }
0xb7: {  	s31 =	sshll.u32 s1, $0xD;
	s1 =	sshrl.u32 s1, $0x2  }
0xb8: {  	s3 =	sand.u32 $0x4000, s31;
	s1 =	sadd.s32 s1, s30  }
0xb9: {  	s0 =	sor.u32 s3, s0;
	s1 =	sshll.u32 s1, $0x11  }
0xba: {  	s0 =	sor.u32 s1, s0  }
0xbb: {  	s0 =	sadd.s32 $0x8F2B, s0  }
0xbc: {  	[sflag:s0] =	ssyncadd.remote.s32 $0x1  }
0xbd: {  	_ =	sfence.sel $0xFFFF  }
0xbe: {  	[dreg:$0x0] =	wrdreg $0xFFFFFFFF;
	(pc) =	sbr.abs _section_cstart, $3  }
0xbf: {  	[dreg:$0x1] =	wrdreg $0xFFFFFFFF  }
0xc0: {  	_ =	task.clear_ibuf [dreg:s6], $0x2FFFF;
	_ =	strace $0x9FFFFFFF  }
0xc1: {  	(tm) =	ssettm $0x7FFFFFFF  }
tec
execute0_lowered:
.L_overlay_start_1:
0x0: {  	(tag) =	ssettag $0x1  }
0x1: {  	s1 =	srdreg.scid  }
0x2: {  	s0 =	stileid.u32;
	s5 =	rddreg [dreg:$0x0];
	s7 =	simm.s32 $0x400  }
0x3: {  	s8 =	simm.s32 $0x1;
	s9 =	simm.s32 $0x2800;
	s10 =	simm.s32 $0x0  }
0x4: {  	s3 =	sand.u32 $0x1, s1;
	s29 =	sshrl.u32 s0, $0x2;
	s2 =	sshll.u32 s0, $0x8  }
0x5: {  	s4 =	smul.u32 $0x14000, s29;
	s30 =	sshll.u32 s3, $0x7;
	s2 =	sand.u32 $0x300, s2  }
0x6: {  	s1 =	rddreg [dreg:$0x1];
	s3 =	ssub.s32 $0x2, s3;
	s6 =	sor.u32 s30, s2  }
0x7: {  	s2 =	simm.s32 $0x0;
	s31 =	sshrl.u32 s3, $0x1;
	s4 =	sor.u32 s4, s6  }
0x8: {  	[smem:$0x7FF] =	sst s2;
	s6 =	simm.s32 $0x80;
	s4 =	sshrl.u32 s4, $0x3  }
0x9: {  	_ =	strace $0x80000047;
	s4 =	sadd.s32 s4, s5;
	s5 =	ssub.s32 s3, s31  }
0xa: {  	v0 =	vimm.f32 $0.0e+00;
	v1 =	vimm.f32 $1.000000000e+00;
	s3 =	sadd.s32 $0x2000, s4;
	s4 =	sadd.s32 $0xC000, s4;
	s5 =	smax.u32 s5, $0x1  }
.LBB2_1:
0xb: {  	[tilespmem:s2], [sflag:$0x1] =	stream.strided.gather [hbm4b:s3+s6], $0x2800, s7, s6, $0x38;
	[tilespmem:$0x5000] =	vst v63  }
0xc: {  	_ =	swait.ge [sflag:s8], $0x2800  }
0xd: {  	[sflag:s8] =	ssyncset.done $0x0  }
0xe: {  	s11 =	simm.s32 $0x0;
	[sflag:s8] =	ssyncadd.s32 $0xFFFFD800  }
.LBB2_2:
0xf: {  	p0 =	sne.s32 s11, $0x9FC0  }
.Ltmp0:
0x10: {  	_ = 	snop;
	(pc) =	sbr.rel @p0 .LBB2_2-.Ltmp0, $3  }
0x11: {  	_ =	sdelay $0x1  }
0x12: {  	s12 =	sshra.s32 s11, $0x2  }
0x13: {  	s11 =	sadd.s32 $0x40, s11;
	[tilespmem:s12+$0x2800] =	vst v0  }
0x14: {  	s12 =	simm.s32 $0x0;
	s11 =	simm.s32 $0x40  }
.LBB2_4:
0x15: {  	p0 =	sne.s32 s11, $0x9FC0;
	v2 =	vld [tilespmem:s12+$0x0];
	_ =	sdelay $0x3  }
.Ltmp1:
0x16: {  	(pc) =	sbr.rel @p0 .LBB2_4-.Ltmp1, $2  }
0x17: {  	_ =	sdelay $0x2  }
0x18: {  	s12 =	sshra.s32 s11, $0x2;
	s11 =	sadd.s32 $0x40, s11;
	[tilespmem:v2+s9+$0x0] =	vst.idx.add.f32.msk $0xffff, v1  }
0x19: {  	v2 =	vld [tilespmem:s12+$0x0];
	_ =	sdelay $0x5  }
0x1a: {  	s10 =	sadd.s32 $0x1, s10  }
0x1b: {  	p0 =	sne.s32 s10, s5  }
.Ltmp2:
0x1c: {  	[tilespmem:v2+s9+$0x0] =	vst.idx.add.f32.msk $0xffff, v1;
	(pc) =	sbr.rel @p0 .LBB2_1-.Ltmp2, $4  }
0x1d: {  	[hbm4b:s4+s6] =	stream.strided.scatter [tilespmem:s9], [sflag:$0x1], $0x2800, s7, s6, $0x38;
	[tilespmem:$0x5000] =	vst v63  }
0x1e: {  	_ =	swait.ge [sflag:s8], $0x2800  }
0x1f: {  	[sflag:s8] =	ssyncset.done $0x0  }
0x20: {  	[sflag:s8] =	ssyncadd.s32 $0xFFFFD800  }
0x21: {  	_ =	sfence.sel $0x180000  }
0x22: {  	[bflag:$0x0] =	sbarrier.arrive $0xFFFF  }
0x23: {  	p0 =	sne.s32 s0, $0x0;
	_ =	strace $0x90000047  }
0x24: {  	s0 =	sadd.s32 @!p0 $0x100000, s1;
	[bflag:$0x2] =	sbarrier.arrive $0xFFFF  }
0x25: {  	[sflag:s0] =	ssyncadd.tile.s32 @!p0 $0x1;
	_ =	shalt  }
.Lfunc_end2:
_tile_overlayer_lowered:
.L_overlay_start_2:
0x26: {  	(tag) =	ssettag $0x2  }
0x27: {  	s0 =	rddreg [dreg:$0x0];
	s2 =	stileid.u32  }
0x28: {  	s1 =	rddreg [dreg:$0x1];
	p0 =	sne.s32 s2, $0x0  }
0x29: {  	s3 =	rddreg [dreg:$0x2];
	[bflag:$0x3] =	sbarrier.arrive $0xFFFF;
	s2 =	simm.s32 @!p0 $0x1C01  }
0x2a: {  	[timem:s3], [sflag:s2] =	dma.local @!p0 [hbm:s0], s1  }
0x2b: {  	s0 =	simm.s32 @!p0 $0x1  }
0x2c: {  	_ =	swait.ge @!p0 [sflag:s0], s1  }
0x2d: {  	s1 =	ssub.s32 @!p0 $0x0, s1;
	[sflag:s0] =	ssyncset.done @!p0 $0x0  }
0x2e: {  	[sflag:s0] =	ssyncadd.s32 @!p0 s1  }
0x2f: {  	[bflag:$0x3] =	sbarrier.arrive $0xFFFF  }
0x30: {  	_ =	shalt  }

</sc_bundles>
